<compile_context>
chip_gen: v7x
topology: tpu7x:2x2x1
jax: 0.10.2.dev20260603
libtpu: 0.0.44.dev20260713+nightly
codegen_flags: <defaults>
</compile_context>

<pallas_src>
import functools

import jax
import jax.numpy as jnp
from jax import lax
from jax.experimental import pallas as pl
from jax.experimental.pallas import tpu as pltpu
from jax.experimental.pallas import tpu_sc as plsc

P = 3
NBATCH = 1024
F = 128
NH = 8
HEAD_IN = F // NH
OUT_DIM = 64
OUT_SZ = OUT_DIM // NH
HID = 128


def _attn_body(xg_ref, A_ref, bias_ref, W1_ref, b1_ref, W2_ref, b2_ref,
               Wf_ref, bf_ref, a1_ref, a2_ref, Wm_ref, bm_ref,
               out_ref):
    x = xg_ref[0]
    A = A_ref[0]
    bias = bias_ref[0]

    deg = jnp.maximum(jnp.sum(A, axis=1, keepdims=True), 1.0)
    agg1 = jnp.dot(A, x, preferred_element_type=jnp.float32) / deg
    h = jax.nn.relu(jnp.dot(agg1, W1_ref[0], preferred_element_type=jnp.float32)
                    + b1_ref[0])
    agg2 = jnp.dot(A, h, preferred_element_type=jnp.float32) / deg
    fe = jnp.dot(agg2, W2_ref[0], preferred_element_type=jnp.float32) + b2_ref[0]

    attns = []
    for nh in range(NH):
        xh = fe[:, nh * HEAD_IN:(nh + 1) * HEAD_IN]
        f = jnp.dot(xh, Wf_ref[0, nh], preferred_element_type=jnp.float32) \
            + bf_ref[0, nh]
        f1 = jnp.dot(f, a1_ref[0, nh].reshape(OUT_SZ, 1),
                     preferred_element_type=jnp.float32)
        f2 = jnp.dot(f, a2_ref[0, nh].reshape(OUT_SZ, 1),
                     preferred_element_type=jnp.float32)
        logits = f1 + f2.T
        z = jnp.where(logits >= 0.0, logits, 0.2 * logits) + bias
        m = jnp.max(z, axis=1, keepdims=True)
        e = jnp.exp(z - m)
        s = jnp.sum(e, axis=1, keepdims=True)
        coefs = e / s
        av = jnp.dot(coefs, f, preferred_element_type=jnp.float32)
        attns.append(jnp.where(av > 0.0, av, jnp.exp(av) - 1.0))
    h_1 = jnp.concatenate(attns, axis=-1)
    h1t = jnp.dot(h_1, Wm_ref[...], preferred_element_type=jnp.float32) \
        + bm_ref[...]
    out_ref[...] = h1t


def _attn_call(i, xg, A, bias, W1, b1, W2, b2, Wf, bf, a1, a2, Wm, bm):
    bs_meta3 = lambda shp: pl.BlockSpec((1,) + shp,
                                        lambda g, i=i: (i,) + (0,) * len(shp))
    bs_full = lambda shp: pl.BlockSpec(shp, lambda g: (0,) * len(shp))
    return pl.pallas_call(
        _attn_body,
        grid=(1,),
        in_specs=[
            bs_meta3((NBATCH, F)),
            bs_meta3((NBATCH, NBATCH)),
            bs_meta3((NBATCH, NBATCH)),
            bs_meta3((F, HID)),
            bs_meta3((1, HID)),
            bs_meta3((HID, F)),
            bs_meta3((1, F)),
            bs_meta3((NH, HEAD_IN, OUT_SZ)),
            bs_meta3((NH, 1, OUT_SZ)),
            bs_meta3((NH, OUT_SZ)),
            bs_meta3((NH, OUT_SZ)),
            bs_full((OUT_DIM, OUT_DIM)),
            bs_full((1, OUT_DIM)),
        ],
        out_specs=pl.BlockSpec((NBATCH, OUT_DIM), lambda g: (0, 0)),
        out_shape=jax.ShapeDtypeStruct((NBATCH, OUT_DIM), jnp.float32),
    )(xg, A, bias, W1, b1[:, None, :], W2, b2[:, None, :], Wf,
      bf[:, :, None, :], a1, a2, Wm, bm[None])


def _sem_body(m0_ref, m1_ref, m2_ref, wom_ref, bom_ref, uom_ref, out_ref):
    ms = [m0_ref[...], m1_ref[...], m2_ref[...]]
    vus = []
    for j in range(P):
        v = jnp.tanh(jnp.dot(ms[j], wom_ref[...],
                             preferred_element_type=jnp.float32)
                     + bom_ref[...])
        vu = jnp.dot(v, uom_ref[...].reshape(HID, 1),
                     preferred_element_type=jnp.float32)
        vus.append(vu)
    vu_all = jnp.concatenate(vus, axis=-1)
    mx = jnp.max(vu_all, axis=1, keepdims=True)
    ev = jnp.exp(vu_all - mx)
    al = ev / jnp.sum(ev, axis=1, keepdims=True)
    acc = al[:, 0:1] * ms[0]
    for j in range(1, P):
        acc = acc + al[:, j:j + 1] * ms[j]
    out_ref[...] = acc


def _sem_call(m0, m1, m2, w_omega, b_omega, u_omega):
    return pl.pallas_call(
        _sem_body,
        out_shape=jax.ShapeDtypeStruct((NBATCH, OUT_DIM), jnp.float32),
    )(m0, m1, m2, w_omega, b_omega[None], u_omega[None])


@jax.jit
def _dense_call(xg, A, bias, W1, b1, W2, b2,
                Wf, bf, a1, a2, Wm, bm, w_omega, b_omega, u_omega):
    hs = []
    for i in range(P):
        hs.append(_attn_call(i, xg, A, bias, W1, b1, W2, b2, Wf, bf,
                             a1, a2, Wm, bm))
    return _sem_call(hs[0], hs[1], hs[2], w_omega, b_omega, u_omega)


NW = 32
ROWS = NBATCH // NW
NB_NODES = 4000
E = 16384
RCH = 8
NCHUNK = ROWS // RCH


def _sc_body(feat_hbm, nids_hbm, bias_hbm, bn_hbm, adjs_hbm,
             xg_hbm, a_hbm, bg_hbm,
             idx_v, xrows, cidx, sbuf, dbuf, aslab, rowbuf, outbuf,
             sem_x, sem_r, sem_o0, sem_o1):
    wid = lax.axis_index("s") * 2 + lax.axis_index("c")
    base = wid * ROWS
    zeros16 = jnp.zeros((16,), jnp.float32)
    ones16 = jnp.ones((16,), jnp.float32)
    osems = [sem_o0, sem_o1]
    ohandles = [None, None]
    gchunk = 0
    for i in range(P):
        pltpu.sync_copy(nids_hbm.at[i, 0, pl.ds(base, ROWS)], idx_v)
        hx = pltpu.async_copy(feat_hbm.at[i].at[idx_v], xrows, sem_x)
        pltpu.sync_copy(adjs_hbm.at[2 * i, 0], sbuf)
        pltpu.sync_copy(adjs_hbm.at[2 * i + 1, 0], dbuf)

        @plsc.parallel_loop(0, ROWS * NBATCH // 16, unroll=8)
        def _(j):
            aslab[j // (NBATCH // 16), pl.ds((j % (NBATCH // 16)) * 16, 16)] \
                = zeros16

        def edge_body(k, c):
            s = sbuf[pl.ds(k * 16, 16)]
            d = dbuf[pl.ds(k * 16, 16)]
            ld = d - base
            m = (ld >= 0) & (ld < ROWS)
            ld0 = jnp.where(m, ld, 0)
            plsc.addupdate_scatter(aslab, [ld0, s], ones16, mask=m)
            return c
        lax.fori_loop(0, E // 16, edge_body, 0)
        pltpu.sync_copy(aslab, a_hbm.at[i, pl.ds(base, ROWS)])
        hx.wait()
        pltpu.sync_copy(xrows, xg_hbm.at[i, pl.ds(base, ROWS)])
        if bias_hbm is None:
            continue
        pltpu.sync_copy(bn_hbm.at[i, 0], cidx)
        for rc in range(NCHUNK):
            cur = gchunk & 1
            hr = pltpu.async_copy(
                bias_hbm.at[i].at[cidx.at[pl.ds(base + rc * RCH, RCH)]],
                rowbuf, sem_r)
            hr.wait()
            if ohandles[cur] is not None:
                ohandles[cur].wait()

            @plsc.parallel_loop(0, RCH * NBATCH // 16, unroll=8)
            def _(t):
                r = t // (NBATCH // 16)
                j = t % (NBATCH // 16)
                ci = cidx[pl.ds(j * 16, 16)]
                vals = plsc.load_gather(
                    rowbuf, [jnp.full((16,), r, jnp.int32), ci])
                outbuf[cur, r, pl.ds(j * 16, 16)] = vals

            ohandles[cur] = pltpu.async_copy(
                outbuf.at[cur],
                bg_hbm.at[i, pl.ds(base + rc * RCH, RCH)],
                osems[cur])
            gchunk += 1
    for h in ohandles:
        if h is not None:
            h.wait()


@jax.jit
def _sc_call(features_list, n_ids, biases_mat_list, batch_node_list, adjs):
    mesh = plsc.VectorSubcoreMesh(core_axis_name="c", subcore_axis_name="s")
    f = pl.kernel(
        _sc_body,
        out_type=(
            jax.ShapeDtypeStruct((P, NBATCH, F), jnp.float32),
            jax.ShapeDtypeStruct((P, NBATCH, NBATCH), jnp.float32),
            jax.ShapeDtypeStruct((P, NBATCH, NBATCH), jnp.float32),
        ),
        mesh=mesh,
        compiler_params=pltpu.CompilerParams(use_tc_tiling_on_sc=False, needs_layout_passes=False),
        scratch_types=[
            pltpu.VMEM((ROWS,), jnp.int32),
            pltpu.VMEM((ROWS, F), jnp.float32),
            pltpu.VMEM((NBATCH,), jnp.int32),
            pltpu.VMEM((E,), jnp.int32),
            pltpu.VMEM((E,), jnp.int32),
            pltpu.VMEM((ROWS, NBATCH), jnp.float32),
            pltpu.VMEM((RCH, NB_NODES), jnp.float32),
            pltpu.VMEM((2, RCH, NBATCH), jnp.float32),
            pltpu.SemaphoreType.DMA,
            pltpu.SemaphoreType.DMA,
            pltpu.SemaphoreType.DMA,
            pltpu.SemaphoreType.DMA,
        ],
    )
    return f(features_list,
             n_ids.astype(jnp.int32).reshape(P, 1, NBATCH),
             biases_mat_list,
             batch_node_list.astype(jnp.int32).reshape(P, 1, NBATCH),
             adjs.astype(jnp.int32).reshape(2 * P, 1, E))


def _sc_colg_body(rows_hbm, bn_hbm, bg_hbm, cidx, rowbuf, outbuf,
                  sem_r0, sem_r1, sem_o0, sem_o1):
    wid = lax.axis_index("s") * 2 + lax.axis_index("c")
    base = wid * ROWS
    rsems = [sem_r0, sem_r1]
    osems = [sem_o0, sem_o1]
    ohandles = [None, None]
    rh = None
    gchunk = 0
    for i in range(P):
        pltpu.sync_copy(bn_hbm.at[i, 0], cidx)
        for rc in range(NCHUNK):
            cur = gchunk & 1
            if rh is None:
                rh = pltpu.async_copy(
                    rows_hbm.at[i, pl.ds(base + rc * RCH, RCH)],
                    rowbuf.at[cur], rsems[cur])
            rh.wait()
            nxt_i, nxt_rc = (i, rc + 1) if rc + 1 < NCHUNK else (i + 1, 0)
            if nxt_i < P:
                rh = pltpu.async_copy(
                    rows_hbm.at[nxt_i, pl.ds(base + nxt_rc * RCH, RCH)],
                    rowbuf.at[1 - cur], rsems[1 - cur])
            else:
                rh = None
            if ohandles[cur] is not None:
                ohandles[cur].wait()

            @plsc.parallel_loop(0, RCH * NBATCH // 16, unroll=8)
            def _(t):
                r = t // (NBATCH // 16)
                j = t % (NBATCH // 16)
                ci = cidx[pl.ds(j * 16, 16)]
                vals = plsc.load_gather(
                    rowbuf, [jnp.full((16,), cur, jnp.int32),
                             jnp.full((16,), r, jnp.int32), ci])
                outbuf[cur, r, pl.ds(j * 16, 16)] = vals

            ohandles[cur] = pltpu.async_copy(
                outbuf.at[cur],
                bg_hbm.at[i, pl.ds(base + rc * RCH, RCH)],
                osems[cur])
            gchunk += 1
    for h in ohandles:
        if h is not None:
            h.wait()


@jax.jit
def _sc_colg(rows, batch_node_list):
    mesh = plsc.VectorSubcoreMesh(core_axis_name="c", subcore_axis_name="s")
    f = pl.kernel(
        _sc_colg_body,
        out_type=jax.ShapeDtypeStruct((P, NBATCH, NBATCH), jnp.float32),
        mesh=mesh,
        compiler_params=pltpu.CompilerParams(use_tc_tiling_on_sc=True,
                                             needs_layout_passes=False),
        scratch_types=[
            pltpu.VMEM((NBATCH,), jnp.int32),
            pltpu.VMEM((2, RCH, NB_NODES), jnp.float32),
            pltpu.VMEM((2, RCH, NBATCH), jnp.float32),
            pltpu.SemaphoreType.DMA,
            pltpu.SemaphoreType.DMA,
            pltpu.SemaphoreType.DMA,
            pltpu.SemaphoreType.DMA,
        ],
    )
    return f(rows, batch_node_list.astype(jnp.int32).reshape(P, 1, NBATCH))


def _sc_body_noB(feat_hbm, nids_hbm, adjs_hbm, xg_hbm, a_hbm,
                 idx_v, xrows, sbuf, dbuf, aslab, sem_x):
    _sc_body(feat_hbm, nids_hbm, None, None, adjs_hbm, xg_hbm, a_hbm, None,
             idx_v, xrows, None, sbuf, dbuf, aslab, None, None,
             sem_x, None, None, None)


@jax.jit
def _sc_call_noB(features_list, n_ids, adjs):
    mesh = plsc.VectorSubcoreMesh(core_axis_name="c", subcore_axis_name="s")
    f = pl.kernel(
        _sc_body_noB,
        out_type=(
            jax.ShapeDtypeStruct((P, NBATCH, F), jnp.float32),
            jax.ShapeDtypeStruct((P, NBATCH, NBATCH), jnp.float32),
        ),
        mesh=mesh,
        compiler_params=pltpu.CompilerParams(use_tc_tiling_on_sc=True,
                                             needs_layout_passes=False),
        scratch_types=[
            pltpu.VMEM((ROWS,), jnp.int32),
            pltpu.VMEM((ROWS, F), jnp.float32),
            pltpu.VMEM((E,), jnp.int32),
            pltpu.VMEM((E,), jnp.int32),
            pltpu.VMEM((ROWS, NBATCH), jnp.float32),
            pltpu.SemaphoreType.DMA,
        ],
    )
    return f(features_list,
             n_ids.astype(jnp.int32).reshape(P, 1, NBATCH),
             adjs.astype(jnp.int32).reshape(2 * P, 1, E))


def kernel(features_list, biases_mat_list, batch_node_list, adjs, n_ids,
           device, RL_thresholds, W1, b1, W2, b2, Wf, bf, a1, a2, Wm, bm,
           w_omega, b_omega, u_omega):
    rows = jnp.take_along_axis(biases_mat_list, batch_node_list[:, :, None],
                               axis=1)
    xg, A = _sc_call_noB(features_list, n_ids, adjs)
    bias = _sc_colg(rows, batch_node_list)
    return _dense_call(xg, A, bias, W1, b1, W2, b2, Wf, bf, a1, a2,
                       Wm, bm, w_omega, b_omega, u_omega)

# --- scband reference (transcript-rebuilt; emitter-appended) ---
"""Pipeline reference for scband-hete-gat-multi-geometric-18511309045842 (READ-ONLY COPY).

The authoritative reference and input builder live on the scoring server;
editing this copy changes nothing except your own understanding.
"""

import jax, jax.numpy as jnp
import numpy as np

P = 3
NB_NODES = 4000
NBATCH = 1024
F = 128
NH = 8
HEAD_IN = F // NH
OUT_DIM = 64
OUT_SZ = OUT_DIM // NH
HID = 128
E = 16384


def _intra_agg(x, edge_index, W1, b1, W2, b2):
    src = edge_index[0]
    dst = edge_index[1]
    n = x.shape[0]
    deg = jnp.maximum(jnp.zeros((n,), dtype=x.dtype).at[dst].add(1.0), 1.0)
    agg1 = jnp.zeros((n, x.shape[1]), dtype=x.dtype).at[dst].add(x[src]) / deg[:, None]
    h = jax.nn.relu(agg1 @ W1 + b1)
    agg2 = jnp.zeros((n, h.shape[1]), dtype=x.dtype).at[dst].add(h[src]) / deg[:, None]
    return agg2 @ W2 + b2


def _forward(features_list, biases_mat_list, batch_node_list, adjs, n_ids,
             W1, b1, W2, b2, Wf, bf, a1, a2, Wm, bm, w_omega, b_omega, u_omega):
    embed_list = []
    for i in range(P):
        x = features_list[i][n_ids[i]]
        fe = _intra_agg(x, adjs[i], W1[i], b1[i], W2[i], b2[i])
        bn = batch_node_list[i]
        bias = biases_mat_list[i][bn][:, bn]
        attns = []
        for nh in range(NH):
            xh = fe[:, nh * HEAD_IN:(nh + 1) * HEAD_IN]
            f = xh @ Wf[i, nh] + bf[i, nh]
            f1 = f @ a1[i, nh]
            f2 = f @ a2[i, nh]
            logits = f1[:, None] + f2[None, :]
            coefs = jax.nn.softmax(jax.nn.leaky_relu(logits, negative_slope=0.2) + bias, axis=-1)
            attns.append(jax.nn.elu(coefs @ f))
        h_1 = jnp.concatenate(attns, axis=-1)
        h_1_trans = h_1 @ Wm + bm
        embed_list.append(h_1_trans[:, None, :])
    multi_embed = jnp.concatenate(embed_list, axis=1)
    v = jnp.tanh(multi_embed @ w_omega + b_omega)
    vu = v @ u_omega
    alphas = jax.nn.softmax(vu, axis=-1)
    final_embed = jnp.sum(multi_embed * alphas[..., None], axis=1)
    return final_embed


def setup_inputs(seed: int = 0):
    key = jax.random.key(seed)
    ks = jax.random.split(key, 20)
    inp = {}
    inp["features_list"] = jax.random.normal(ks[0], (P, NB_NODES, F), dtype=jnp.float32)
    inp["biases_mat_list"] = jax.random.normal(ks[1], (P, NB_NODES, NB_NODES), dtype=jnp.float32)
    inp["batch_node_list"] = jax.random.randint(ks[2], (P, NBATCH), 0, NB_NODES)
    inp["adjs"] = jax.random.randint(ks[3], (P, 2, E), 0, NBATCH)
    inp["n_ids"] = jax.random.randint(ks[4], (P, NBATCH), 0, NB_NODES)
    inp["device"] = 0
    inp["RL_thresholds"] = jnp.ones((P,), dtype=jnp.float32)
    inp["W1"] = jax.random.normal(ks[5], (P, F, HID), dtype=jnp.float32) * 0.1
    inp["b1"] = jnp.zeros((P, HID), dtype=jnp.float32)
    inp["W2"] = jax.random.normal(ks[6], (P, HID, F), dtype=jnp.float32) * 0.1
    inp["b2"] = jnp.zeros((P, F), dtype=jnp.float32)
    inp["Wf"] = jax.random.normal(ks[7], (P, NH, HEAD_IN, OUT_SZ), dtype=jnp.float32) * 0.1
    inp["bf"] = jnp.zeros((P, NH, OUT_SZ), dtype=jnp.float32)
    inp["a1"] = jax.random.normal(ks[8], (P, NH, OUT_SZ), dtype=jnp.float32) * 0.1
    inp["a2"] = jax.random.normal(ks[9], (P, NH, OUT_SZ), dtype=jnp.float32) * 0.1
    inp["Wm"] = jax.random.normal(ks[10], (OUT_DIM, OUT_DIM), dtype=jnp.float32) * 0.1
    inp["bm"] = jnp.zeros((OUT_DIM,), dtype=jnp.float32)
    inp["w_omega"] = jax.random.normal(ks[11], (OUT_DIM, HID), dtype=jnp.float32) * 0.1
    inp["b_omega"] = jnp.zeros((HID,), dtype=jnp.float32)
    inp["u_omega"] = jax.random.normal(ks[12], (HID,), dtype=jnp.float32) * 0.1
    return inp


def reference(features_list, biases_mat_list, batch_node_list, adjs, n_ids, device, RL_thresholds,
              W1, b1, W2, b2, Wf, bf, a1, a2, Wm, bm, w_omega, b_omega, u_omega):
    return _forward(features_list, biases_mat_list, batch_node_list, adjs, n_ids,
                    W1, b1, W2, b2, Wf, bf, a1, a2, Wm, bm, w_omega, b_omega, u_omega)

if __name__ == "__main__":
    import jax
    _d = setup_inputs()
    print(jax.jit(kernel)(*tuple(_d.values())))

</pallas_src>

<mosaic_0001>
#map = affine_map<(d0, d1) -> (0, 0, 0)>
module attributes {stable_mosaic.version = 14 : i64} {
  func.func @_sc_body_noB(%arg0: i32, %arg1: i32, %arg2: memref<3x4000x128xf32, #tpu.memory_space<hbm>>, %arg3: memref<3x1x1024xi32, #tpu.memory_space<hbm>>, %arg4: memref<6x1x16384xi32, #tpu.memory_space<hbm>>, %arg5: memref<3x1024x128xf32, #tpu.memory_space<hbm>>, %arg6: memref<3x1024x1024xf32, #tpu.memory_space<hbm>>, %arg7: memref<32xi32, #tpu.memory_space<vmem>>, %arg8: memref<32x128xf32, #tpu.memory_space<vmem>>, %arg9: memref<16384xi32, #tpu.memory_space<vmem>>, %arg10: memref<16384xi32, #tpu.memory_space<vmem>>, %arg11: memref<32x1024xf32, #tpu.memory_space<vmem>>, %arg12: memref<!tpu.dma_semaphore, #tpu.memory_space<semaphore_mem>>) attributes {dimension_semantics = [#tpu.dimension_semantics<core_parallel>, #tpu.dimension_semantics<subcore_parallel>], iteration_bounds = array<i64: 2, 16>, scalar_prefetch = 0 : i64, scratch_operands = 6 : i64, tpu.core_type = #tpu.core_type<sc_vector_subcore>, window_params = [{transform_indices = #map}, {transform_indices = #map}, {transform_indices = #map}, {transform_indices = #map}, {transform_indices = #map}]} {
    %mul3A = arith.constant 2 : i32
    %mul3A_0 = arith.muli %arg1, %mul3A : i32
    %add3A = arith.addi %mul3A_0, %arg0 : i32
    %mul3A_1 = arith.constant 32 : i32
    %mul3A_2 = arith.muli %add3A, %mul3A_1 : i32
    %broadcast_in_dim3A = arith.constant 0.000000e+00 : f32
    %broadcast_in_dim3A_3 = vector.broadcast %broadcast_in_dim3A : f32 to vector<16xf32>
    %broadcast_in_dim3A_4 = arith.constant 1.000000e+00 : f32
    %broadcast_in_dim3A_5 = vector.broadcast %broadcast_in_dim3A_4 : f32 to vector<16xf32>
    %run_scoped3A = arith.constant 0 : i32
    %run_scoped3A_6 = arith.constant 0 : i32
    "tpu.region"() ({
      %run_scoped3A_100 = tpu.sem_alloc : memref<!tpu.dma_semaphore, #tpu.memory_space<semaphore_mem>>
      %dma_start3A_101 = tpu.memref_slice %arg3[%run_scoped3A, %run_scoped3A_6, %mul3A_2] : memref<3x1x1024xi32, #tpu.memory_space<hbm>> -> memref<1x1x32xi32, #tpu.memory_space<hbm>>
      %dma_start3A_102 = tpu.memref_squeeze %dma_start3A_101 : memref<1x1x32xi32, #tpu.memory_space<hbm>> -> memref<32xi32, #tpu.memory_space<hbm>>
      %dma_start3A_103 = tpu.memref_slice %arg3[%run_scoped3A, %run_scoped3A_6, %mul3A_2] : memref<3x1x1024xi32, #tpu.memory_space<hbm>> -> memref<1x1x32xi32, #tpu.memory_space<hbm>>
      %dma_start3A_104 = tpu.memref_squeeze %dma_start3A_103 : memref<1x1x32xi32, #tpu.memory_space<hbm>> -> memref<32xi32, #tpu.memory_space<hbm>>
      tpu.enqueue_dma source(%dma_start3A_104 : memref<32xi32, #tpu.memory_space<hbm>>) target(%arg7 : memref<32xi32, #tpu.memory_space<vmem>>) target_semaphore(%run_scoped3A_100 : memref<!tpu.dma_semaphore, #tpu.memory_space<semaphore_mem>>)
      %dma_wait3A_105 = tpu.memref_slice %arg3[%run_scoped3A, %run_scoped3A_6, %mul3A_2] : memref<3x1x1024xi32, #tpu.memory_space<hbm>> -> memref<1x1x32xi32, #tpu.memory_space<hbm>>
      %dma_wait3A_106 = tpu.memref_squeeze %dma_wait3A_105 : memref<1x1x32xi32, #tpu.memory_space<hbm>> -> memref<32xi32, #tpu.memory_space<hbm>>
      %dma_wait3A_107 = tpu.memref_slice %arg3[%run_scoped3A, %run_scoped3A_6, %mul3A_2] : memref<3x1x1024xi32, #tpu.memory_space<hbm>> -> memref<1x1x32xi32, #tpu.memory_space<hbm>>
      %dma_wait3A_108 = tpu.memref_squeeze %dma_wait3A_107 : memref<1x1x32xi32, #tpu.memory_space<hbm>> -> memref<32xi32, #tpu.memory_space<hbm>>
      tpu.wait_dma2 semaphore(%run_scoped3A_100 : memref<!tpu.dma_semaphore, #tpu.memory_space<semaphore_mem>>) src(%dma_wait3A_108 : memref<32xi32, #tpu.memory_space<hbm>>) dst(%arg7 : memref<32xi32, #tpu.memory_space<vmem>>)
      tpu.yield
    }) : () -> ()
    %dma_start3A = arith.constant 0 : i32
    %dma_start3A_7 = arith.constant 0 : i32
    %dma_start3A_8 = arith.constant 0 : i32
    %dma_start3A_9 = tpu.memref_slice %arg2[%dma_start3A, %dma_start3A_7, %dma_start3A_8] : memref<3x4000x128xf32, #tpu.memory_space<hbm>> -> memref<1x4000x128xf32, #tpu.memory_space<hbm>>
    %dma_start3A_10 = tpu.memref_squeeze %dma_start3A_9 : memref<1x4000x128xf32, #tpu.memory_space<hbm>> -> memref<4000x128xf32, #tpu.memory_space<hbm>>
    %dma_start3A_11 = arith.constant 0 : i32
    %dma_start3A_12 = arith.constant 0 : i32
    %dma_start3A_13 = tpu.memref_slice %dma_start3A_10[%dma_start3A_11, %dma_start3A_12] : memref<4000x128xf32, #tpu.memory_space<hbm>> -> memref<4000x128xf32, #tpu.memory_space<hbm>>
    tpu.enqueue_indirect_dma source(%dma_start3A_13 : memref<4000x128xf32, #tpu.memory_space<hbm>>) target(%arg8 : memref<32x128xf32, #tpu.memory_space<vmem>>) offsets(%arg7 : memref<32xi32, #tpu.memory_space<vmem>>) semaphore(%arg12 : memref<!tpu.dma_semaphore, #tpu.memory_space<semaphore_mem>>)
    %run_scoped3A_14 = arith.constant 0 : i32
    %run_scoped3A_15 = arith.constant 0 : i32
    "tpu.region"() ({
      %run_scoped3A_100 = tpu.sem_alloc : memref<!tpu.dma_semaphore, #tpu.memory_space<semaphore_mem>>
      %dma_start3A_101 = arith.constant 0 : i32
      %dma_start3A_102 = tpu.memref_slice %arg4[%run_scoped3A_14, %run_scoped3A_15, %dma_start3A_101] : memref<6x1x16384xi32, #tpu.memory_space<hbm>> -> memref<1x1x16384xi32, #tpu.memory_space<hbm>>
      %dma_start3A_103 = tpu.memref_squeeze %dma_start3A_102 : memref<1x1x16384xi32, #tpu.memory_space<hbm>> -> memref<16384xi32, #tpu.memory_space<hbm>>
      %dma_start3A_104 = arith.constant 0 : i32
      %dma_start3A_105 = tpu.memref_slice %arg4[%run_scoped3A_14, %run_scoped3A_15, %dma_start3A_104] : memref<6x1x16384xi32, #tpu.memory_space<hbm>> -> memref<1x1x16384xi32, #tpu.memory_space<hbm>>
      %dma_start3A_106 = tpu.memref_squeeze %dma_start3A_105 : memref<1x1x16384xi32, #tpu.memory_space<hbm>> -> memref<16384xi32, #tpu.memory_space<hbm>>
      tpu.enqueue_dma source(%dma_start3A_106 : memref<16384xi32, #tpu.memory_space<hbm>>) target(%arg9 : memref<16384xi32, #tpu.memory_space<vmem>>) target_semaphore(%run_scoped3A_100 : memref<!tpu.dma_semaphore, #tpu.memory_space<semaphore_mem>>)
      %dma_wait3A_107 = arith.constant 0 : i32
      %dma_wait3A_108 = tpu.memref_slice %arg4[%run_scoped3A_14, %run_scoped3A_15, %dma_wait3A_107] : memref<6x1x16384xi32, #tpu.memory_space<hbm>> -> memref<1x1x16384xi32, #tpu.memory_space<hbm>>
      %dma_wait3A_109 = tpu.memref_squeeze %dma_wait3A_108 : memref<1x1x16384xi32, #tpu.memory_space<hbm>> -> memref<16384xi32, #tpu.memory_space<hbm>>
      %dma_wait3A_110 = arith.constant 0 : i32
      %dma_wait3A_111 = tpu.memref_slice %arg4[%run_scoped3A_14, %run_scoped3A_15, %dma_wait3A_110] : memref<6x1x16384xi32, #tpu.memory_space<hbm>> -> memref<1x1x16384xi32, #tpu.memory_space<hbm>>
      %dma_wait3A_112 = tpu.memref_squeeze %dma_wait3A_111 : memref<1x1x16384xi32, #tpu.memory_space<hbm>> -> memref<16384xi32, #tpu.memory_space<hbm>>
      tpu.wait_dma2 semaphore(%run_scoped3A_100 : memref<!tpu.dma_semaphore, #tpu.memory_space<semaphore_mem>>) src(%dma_wait3A_112 : memref<16384xi32, #tpu.memory_space<hbm>>) dst(%arg9 : memref<16384xi32, #tpu.memory_space<vmem>>)
      tpu.yield
    }) : () -> ()
    %run_scoped3A_16 = arith.constant 1 : i32
    %run_scoped3A_17 = arith.constant 0 : i32
    "tpu.region"() ({
      %run_scoped3A_100 = tpu.sem_alloc : memref<!tpu.dma_semaphore, #tpu.memory_space<semaphore_mem>>
      %dma_start3A_101 = arith.constant 0 : i32
      %dma_start3A_102 = tpu.memref_slice %arg4[%run_scoped3A_16, %run_scoped3A_17, %dma_start3A_101] : memref<6x1x16384xi32, #tpu.memory_space<hbm>> -> memref<1x1x16384xi32, #tpu.memory_space<hbm>>
      %dma_start3A_103 = tpu.memref_squeeze %dma_start3A_102 : memref<1x1x16384xi32, #tpu.memory_space<hbm>> -> memref<16384xi32, #tpu.memory_space<hbm>>
      %dma_start3A_104 = arith.constant 0 : i32
      %dma_start3A_105 = tpu.memref_slice %arg4[%run_scoped3A_16, %run_scoped3A_17, %dma_start3A_104] : memref<6x1x16384xi32, #tpu.memory_space<hbm>> -> memref<1x1x16384xi32, #tpu.memory_space<hbm>>
      %dma_start3A_106 = tpu.memref_squeeze %dma_start3A_105 : memref<1x1x16384xi32, #tpu.memory_space<hbm>> -> memref<16384xi32, #tpu.memory_space<hbm>>
      tpu.enqueue_dma source(%dma_start3A_106 : memref<16384xi32, #tpu.memory_space<hbm>>) target(%arg10 : memref<16384xi32, #tpu.memory_space<vmem>>) target_semaphore(%run_scoped3A_100 : memref<!tpu.dma_semaphore, #tpu.memory_space<semaphore_mem>>)
      %dma_wait3A_107 = arith.constant 0 : i32
      %dma_wait3A_108 = tpu.memref_slice %arg4[%run_scoped3A_16, %run_scoped3A_17, %dma_wait3A_107] : memref<6x1x16384xi32, #tpu.memory_space<hbm>> -> memref<1x1x16384xi32, #tpu.memory_space<hbm>>
      %dma_wait3A_109 = tpu.memref_squeeze %dma_wait3A_108 : memref<1x1x16384xi32, #tpu.memory_space<hbm>> -> memref<16384xi32, #tpu.memory_space<hbm>>
      %dma_wait3A_110 = arith.constant 0 : i32
      %dma_wait3A_111 = tpu.memref_slice %arg4[%run_scoped3A_16, %run_scoped3A_17, %dma_wait3A_110] : memref<6x1x16384xi32, #tpu.memory_space<hbm>> -> memref<1x1x16384xi32, #tpu.memory_space<hbm>>
      %dma_wait3A_112 = tpu.memref_squeeze %dma_wait3A_111 : memref<1x1x16384xi32, #tpu.memory_space<hbm>> -> memref<16384xi32, #tpu.memory_space<hbm>>
      tpu.wait_dma2 semaphore(%run_scoped3A_100 : memref<!tpu.dma_semaphore, #tpu.memory_space<semaphore_mem>>) src(%dma_wait3A_112 : memref<16384xi32, #tpu.memory_space<hbm>>) dst(%arg10 : memref<16384xi32, #tpu.memory_space<vmem>>)
      tpu.yield
    }) : () -> ()
    %parallel_loop3A = arith.constant 0 : i32
    %parallel_loop3A_18 = arith.constant 2048 : i32
    %parallel_loop3A_19 = arith.constant 1 : i32
    scf.for %parallel_loop3A_100 = %parallel_loop3A to %parallel_loop3A_18 step %parallel_loop3A_19  : i32 {
      %parallel_loop3A_101 = arith.constant 64 : i32
      %parallel_loop3A_102 = arith.divsi %parallel_loop3A_100, %parallel_loop3A_101 : i32
      %parallel_loop3A_103 = arith.constant 0 : i32
      %parallel_loop3A_104 = arith.cmpi sgt, %parallel_loop3A_100, %parallel_loop3A_103 : i32
      %parallel_loop3A_105 = arith.extui %parallel_loop3A_104 : i1 to i32
      %parallel_loop3A_106 = arith.constant 0 : i32
      %parallel_loop3A_107 = arith.cmpi slt, %parallel_loop3A_100, %parallel_loop3A_106 : i32
      %parallel_loop3A_108 = arith.extui %parallel_loop3A_107 : i1 to i32
      %parallel_loop3A_109 = arith.subi %parallel_loop3A_105, %parallel_loop3A_108 : i32
      %parallel_loop3A_110 = arith.constant 0 : i32
      %parallel_loop3A_111 = arith.cmpi sgt, %parallel_loop3A_101, %parallel_loop3A_110 : i32
      %parallel_loop3A_112 = arith.extui %parallel_loop3A_111 : i1 to i32
      %parallel_loop3A_113 = arith.constant 0 : i32
      %parallel_loop3A_114 = arith.cmpi slt, %parallel_loop3A_101, %parallel_loop3A_113 : i32
      %parallel_loop3A_115 = arith.extui %parallel_loop3A_114 : i1 to i32
      %parallel_loop3A_116 = arith.subi %parallel_loop3A_112, %parallel_loop3A_115 : i32
      %parallel_loop3A_117 = arith.cmpi ne, %parallel_loop3A_109, %parallel_loop3A_116 : i32
      %parallel_loop3A_118 = arith.remsi %parallel_loop3A_100, %parallel_loop3A_101 : i32
      %parallel_loop3A_119 = arith.constant 0 : i32
      %parallel_loop3A_120 = arith.cmpi ne, %parallel_loop3A_118, %parallel_loop3A_119 : i32
      %parallel_loop3A_121 = arith.andi %parallel_loop3A_117, %parallel_loop3A_120 : i1
      %parallel_loop3A_122 = arith.constant 1 : i32
      %parallel_loop3A_123 = arith.subi %parallel_loop3A_102, %parallel_loop3A_122 : i32
      %parallel_loop3A_124 = arith.select %parallel_loop3A_121, %parallel_loop3A_123, %parallel_loop3A_102 : i32
      %parallel_loop3A_125 = arith.constant 64 : i32
      %parallel_loop3A_126 = arith.constant 0 : i32
      %parallel_loop3A_127 = arith.cmpi eq, %parallel_loop3A_125, %parallel_loop3A_126 : i32
      %parallel_loop3A_128 = arith.constant 1 : i32
      %parallel_loop3A_129 = arith.select %parallel_loop3A_127, %parallel_loop3A_128, %parallel_loop3A_125 : i32
      %parallel_loop3A_130 = arith.remsi %parallel_loop3A_100, %parallel_loop3A_129 : i32
      %parallel_loop3A_131 = arith.constant 0 : i32
      %parallel_loop3A_132 = arith.cmpi ne, %parallel_loop3A_130, %parallel_loop3A_131 : i32
      %parallel_loop3A_133 = arith.constant 0 : i32
      %parallel_loop3A_134 = arith.cmpi slt, %parallel_loop3A_130, %parallel_loop3A_133 : i32
      %parallel_loop3A_135 = arith.constant 0 : i32
      %parallel_loop3A_136 = arith.cmpi slt, %parallel_loop3A_129, %parallel_loop3A_135 : i32
      %parallel_loop3A_137 = arith.xori %parallel_loop3A_134, %parallel_loop3A_136 : i1
      %parallel_loop3A_138 = arith.andi %parallel_loop3A_137, %parallel_loop3A_132 : i1
      %parallel_loop3A_139 = arith.addi %parallel_loop3A_130, %parallel_loop3A_129 : i32
      %parallel_loop3A_140 = arith.select %parallel_loop3A_138, %parallel_loop3A_139, %parallel_loop3A_130 : i32
      %parallel_loop3A_141 = arith.constant 16 : i32
      %parallel_loop3A_142 = arith.muli %parallel_loop3A_140, %parallel_loop3A_141 : i32
      %parallel_loop3A_143 = arith.index_cast %parallel_loop3A_124 : i32 to index
      %parallel_loop3A_144 = arith.index_cast %parallel_loop3A_142 : i32 to index
      %parallel_loop3A_145 = tpu.vector_load %arg11[%parallel_loop3A_143, %parallel_loop3A_144] {strides = array<i32>} : memref<32x1024xf32, #tpu.memory_space<vmem>>, vector<16xf32>,
      tpu.vector_store %arg11[%parallel_loop3A_143, %parallel_loop3A_144], %broadcast_in_dim3A_3 {strides = array<i32>} : memref<32x1024xf32, #tpu.memory_space<vmem>>, vector<16xf32>,
    } {sc.loop_unroll_factor = 8 : i64, sc.parallel_access}
    %scan3A = arith.constant 0 : i32
    %scan3A_20 = arith.constant 0 : i32
    %scan3A_21 = arith.constant 1024 : i32
    %scan3A_22 = arith.addi %scan3A_20, %scan3A_21 : i32
    %scan3A_23 = arith.constant 1 : i32
    scf.for %scan3A_100 = %scan3A_20 to %scan3A_22 step %scan3A_23  : i32 {
      %mul3A_101 = arith.constant 16 : i32
      %mul3A_102 = arith.muli %scan3A_100, %mul3A_101 : i32
      %get3A = arith.index_cast %mul3A_102 : i32 to index
      %get3A_103 = tpu.vector_load %arg9[%get3A] {strides = array<i32>} : memref<16384xi32, #tpu.memory_space<vmem>>, vector<16xi32>,
      %mul3A_104 = arith.constant 16 : i32
      %mul3A_105 = arith.muli %scan3A_100, %mul3A_104 : i32
      %get3A_106 = arith.index_cast %mul3A_105 : i32 to index
      %get3A_107 = tpu.vector_load %arg10[%get3A_106] {strides = array<i32>} : memref<16384xi32, #tpu.memory_space<vmem>>, vector<16xi32>,
      %sub3A = vector.broadcast %mul3A_2 : i32 to vector<16xi32>
      %sub3A_108 = arith.subi %get3A_107, %sub3A : vector<16xi32>
      %ge3A = arith.constant 0 : i32
      %ge3A_109 = vector.broadcast %ge3A : i32 to vector<16xi32>
      %ge3A_110 = arith.cmpi sge, %sub3A_108, %ge3A_109 : vector<16xi32>
      %lt3A = arith.constant 32 : i32
      %lt3A_111 = vector.broadcast %lt3A : i32 to vector<16xi32>
      %lt3A_112 = arith.cmpi slt, %sub3A_108, %lt3A_111 : vector<16xi32>
      %and3A = arith.andi %ge3A_110, %lt3A_112 : vector<16xi1>
      %jit3A = arith.constant 0 : i32
      %broadcast_in_dim3A_113 = vector.broadcast %jit3A : i32 to vector<16xi32>
      %select_n3A = arith.select %and3A, %sub3A_108, %broadcast_in_dim3A_113 : vector<16xi1>, vector<16xi32>
      tpu.vector_store_idx %arg11[%select_n3A, %get3A_103], %broadcast_in_dim3A_5 masked %and3A {add = true} : memref<32x1024xf32, #tpu.memory_space<vmem>>[vector<16xi32>, vector<16xi32>], vector<16xf32>, vector<16xi1>
    }
    %scan3A_24 = arith.constant 1024 : i32
    %run_scoped3A_25 = arith.constant 0 : i32
    "tpu.region"() ({
      %run_scoped3A_100 = tpu.sem_alloc : memref<!tpu.dma_semaphore, #tpu.memory_space<semaphore_mem>>
      %dma_start3A_101 = arith.constant 0 : i32
      %dma_start3A_102 = tpu.memref_slice %arg6[%run_scoped3A_25, %mul3A_2, %dma_start3A_101] : memref<3x1024x1024xf32, #tpu.memory_space<hbm>> -> memref<1x32x1024xf32, #tpu.memory_space<hbm>>
      %dma_start3A_103 = tpu.memref_squeeze %dma_start3A_102 : memref<1x32x1024xf32, #tpu.memory_space<hbm>> -> memref<32x1024xf32, #tpu.memory_space<hbm>>
      %dma_start3A_104 = arith.constant 0 : i32
      %dma_start3A_105 = tpu.memref_slice %arg6[%run_scoped3A_25, %mul3A_2, %dma_start3A_104] : memref<3x1024x1024xf32, #tpu.memory_space<hbm>> -> memref<1x32x1024xf32, #tpu.memory_space<hbm>>
      %dma_start3A_106 = tpu.memref_squeeze %dma_start3A_105 : memref<1x32x1024xf32, #tpu.memory_space<hbm>> -> memref<32x1024xf32, #tpu.memory_space<hbm>>
      tpu.enqueue_dma source(%arg11 : memref<32x1024xf32, #tpu.memory_space<vmem>>) target(%dma_start3A_106 : memref<32x1024xf32, #tpu.memory_space<hbm>>) target_semaphore(%run_scoped3A_100 : memref<!tpu.dma_semaphore, #tpu.memory_space<semaphore_mem>>)
      %dma_wait3A_107 = arith.constant 0 : i32
      %dma_wait3A_108 = tpu.memref_slice %arg6[%run_scoped3A_25, %mul3A_2, %dma_wait3A_107] : memref<3x1024x1024xf32, #tpu.memory_space<hbm>> -> memref<1x32x1024xf32, #tpu.memory_space<hbm>>
      %dma_wait3A_109 = tpu.memref_squeeze %dma_wait3A_108 : memref<1x32x1024xf32, #tpu.memory_space<hbm>> -> memref<32x1024xf32, #tpu.memory_space<hbm>>
      %dma_wait3A_110 = arith.constant 0 : i32
      %dma_wait3A_111 = tpu.memref_slice %arg6[%run_scoped3A_25, %mul3A_2, %dma_wait3A_110] : memref<3x1024x1024xf32, #tpu.memory_space<hbm>> -> memref<1x32x1024xf32, #tpu.memory_space<hbm>>
      %dma_wait3A_112 = tpu.memref_squeeze %dma_wait3A_111 : memref<1x32x1024xf32, #tpu.memory_space<hbm>> -> memref<32x1024xf32, #tpu.memory_space<hbm>>
      tpu.wait_dma2 semaphore(%run_scoped3A_100 : memref<!tpu.dma_semaphore, #tpu.memory_space<semaphore_mem>>) src(%arg11 : memref<32x1024xf32, #tpu.memory_space<vmem>>) dst(%dma_wait3A_112 : memref<32x1024xf32, #tpu.memory_space<hbm>>)
      tpu.yield
    }) : () -> ()
    %dma_wait3A = arith.constant 0 : i32
    %dma_wait3A_26 = arith.constant 0 : i32
    %dma_wait3A_27 = arith.constant 0 : i32
    %dma_wait3A_28 = tpu.memref_slice %arg2[%dma_wait3A, %dma_wait3A_26, %dma_wait3A_27] : memref<3x4000x128xf32, #tpu.memory_space<hbm>> -> memref<1x4000x128xf32, #tpu.memory_space<hbm>>
    %dma_wait3A_29 = tpu.memref_squeeze %dma_wait3A_28 : memref<1x4000x128xf32, #tpu.memory_space<hbm>> -> memref<4000x128xf32, #tpu.memory_space<hbm>>
    %dma_wait3A_30 = arith.constant 0 : i32
    %dma_wait3A_31 = arith.constant 0 : i32
    %dma_wait3A_32 = tpu.memref_slice %dma_wait3A_29[%dma_wait3A_30, %dma_wait3A_31] : memref<4000x128xf32, #tpu.memory_space<hbm>> -> memref<4000x128xf32, #tpu.memory_space<hbm>>
    tpu.wait_indirect_dma semaphore(%arg12 : memref<!tpu.dma_semaphore, #tpu.memory_space<semaphore_mem>>) src(%dma_wait3A_32 : memref<4000x128xf32, #tpu.memory_space<hbm>>) dst(%arg8 : memref<32x128xf32, #tpu.memory_space<vmem>>)
    %run_scoped3A_33 = arith.constant 0 : i32
    "tpu.region"() ({
      %run_scoped3A_100 = tpu.sem_alloc : memref<!tpu.dma_semaphore, #tpu.memory_space<semaphore_mem>>
      %dma_start3A_101 = arith.constant 0 : i32
      %dma_start3A_102 = tpu.memref_slice %arg5[%run_scoped3A_33, %mul3A_2, %dma_start3A_101] : memref<3x1024x128xf32, #tpu.memory_space<hbm>> -> memref<1x32x128xf32, #tpu.memory_space<hbm>>
      %dma_start3A_103 = tpu.memref_squeeze %dma_start3A_102 : memref<1x32x128xf32, #tpu.memory_space<hbm>> -> memref<32x128xf32, #tpu.memory_space<hbm>>
      %dma_start3A_104 = arith.constant 0 : i32
      %dma_start3A_105 = tpu.memref_slice %arg5[%run_scoped3A_33, %mul3A_2, %dma_start3A_104] : memref<3x1024x128xf32, #tpu.memory_space<hbm>> -> memref<1x32x128xf32, #tpu.memory_space<hbm>>
      %dma_start3A_106 = tpu.memref_squeeze %dma_start3A_105 : memref<1x32x128xf32, #tpu.memory_space<hbm>> -> memref<32x128xf32, #tpu.memory_space<hbm>>
      tpu.enqueue_dma source(%arg8 : memref<32x128xf32, #tpu.memory_space<vmem>>) target(%dma_start3A_106 : memref<32x128xf32, #tpu.memory_space<hbm>>) target_semaphore(%run_scoped3A_100 : memref<!tpu.dma_semaphore, #tpu.memory_space<semaphore_mem>>)
      %dma_wait3A_107 = arith.constant 0 : i32
      %dma_wait3A_108 = tpu.memref_slice %arg5[%run_scoped3A_33, %mul3A_2, %dma_wait3A_107] : memref<3x1024x128xf32, #tpu.memory_space<hbm>> -> memref<1x32x128xf32, #tpu.memory_space<hbm>>
      %dma_wait3A_109 = tpu.memref_squeeze %dma_wait3A_108 : memref<1x32x128xf32, #tpu.memory_space<hbm>> -> memref<32x128xf32, #tpu.memory_space<hbm>>
      %dma_wait3A_110 = arith.constant 0 : i32
      %dma_wait3A_111 = tpu.memref_slice %arg5[%run_scoped3A_33, %mul3A_2, %dma_wait3A_110] : memref<3x1024x128xf32, #tpu.memory_space<hbm>> -> memref<1x32x128xf32, #tpu.memory_space<hbm>>
      %dma_wait3A_112 = tpu.memref_squeeze %dma_wait3A_111 : memref<1x32x128xf32, #tpu.memory_space<hbm>> -> memref<32x128xf32, #tpu.memory_space<hbm>>
      tpu.wait_dma2 semaphore(%run_scoped3A_100 : memref<!tpu.dma_semaphore, #tpu.memory_space<semaphore_mem>>) src(%arg8 : memref<32x128xf32, #tpu.memory_space<vmem>>) dst(%dma_wait3A_112 : memref<32x128xf32, #tpu.memory_space<hbm>>)
      tpu.yield
    }) : () -> ()
    %run_scoped3A_34 = arith.constant 1 : i32
    %run_scoped3A_35 = arith.constant 0 : i32
    "tpu.region"() ({
      %run_scoped3A_100 = tpu.sem_alloc : memref<!tpu.dma_semaphore, #tpu.memory_space<semaphore_mem>>
      %dma_start3A_101 = tpu.memref_slice %arg3[%run_scoped3A_34, %run_scoped3A_35, %mul3A_2] : memref<3x1x1024xi32, #tpu.memory_space<hbm>> -> memref<1x1x32xi32, #tpu.memory_space<hbm>>
      %dma_start3A_102 = tpu.memref_squeeze %dma_start3A_101 : memref<1x1x32xi32, #tpu.memory_space<hbm>> -> memref<32xi32, #tpu.memory_space<hbm>>
      %dma_start3A_103 = tpu.memref_slice %arg3[%run_scoped3A_34, %run_scoped3A_35, %mul3A_2] : memref<3x1x1024xi32, #tpu.memory_space<hbm>> -> memref<1x1x32xi32, #tpu.memory_space<hbm>>
      %dma_start3A_104 = tpu.memref_squeeze %dma_start3A_103 : memref<1x1x32xi32, #tpu.memory_space<hbm>> -> memref<32xi32, #tpu.memory_space<hbm>>
      tpu.enqueue_dma source(%dma_start3A_104 : memref<32xi32, #tpu.memory_space<hbm>>) target(%arg7 : memref<32xi32, #tpu.memory_space<vmem>>) target_semaphore(%run_scoped3A_100 : memref<!tpu.dma_semaphore, #tpu.memory_space<semaphore_mem>>)
      %dma_wait3A_105 = tpu.memref_slice %arg3[%run_scoped3A_34, %run_scoped3A_35, %mul3A_2] : memref<3x1x1024xi32, #tpu.memory_space<hbm>> -> memref<1x1x32xi32, #tpu.memory_space<hbm>>
      %dma_wait3A_106 = tpu.memref_squeeze %dma_wait3A_105 : memref<1x1x32xi32, #tpu.memory_space<hbm>> -> memref<32xi32, #tpu.memory_space<hbm>>
      %dma_wait3A_107 = tpu.memref_slice %arg3[%run_scoped3A_34, %run_scoped3A_35, %mul3A_2] : memref<3x1x1024xi32, #tpu.memory_space<hbm>> -> memref<1x1x32xi32, #tpu.memory_space<hbm>>
      %dma_wait3A_108 = tpu.memref_squeeze %dma_wait3A_107 : memref<1x1x32xi32, #tpu.memory_space<hbm>> -> memref<32xi32, #tpu.memory_space<hbm>>
      tpu.wait_dma2 semaphore(%run_scoped3A_100 : memref<!tpu.dma_semaphore, #tpu.memory_space<semaphore_mem>>) src(%dma_wait3A_108 : memref<32xi32, #tpu.memory_space<hbm>>) dst(%arg7 : memref<32xi32, #tpu.memory_space<vmem>>)
      tpu.yield
    }) : () -> ()
    %dma_start3A_36 = arith.constant 1 : i32
    %dma_start3A_37 = arith.constant 0 : i32
    %dma_start3A_38 = arith.constant 0 : i32
    %dma_start3A_39 = tpu.memref_slice %arg2[%dma_start3A_36, %dma_start3A_37, %dma_start3A_38] : memref<3x4000x128xf32, #tpu.memory_space<hbm>> -> memref<1x4000x128xf32, #tpu.memory_space<hbm>>
    %dma_start3A_40 = tpu.memref_squeeze %dma_start3A_39 : memref<1x4000x128xf32, #tpu.memory_space<hbm>> -> memref<4000x128xf32, #tpu.memory_space<hbm>>
    %dma_start3A_41 = arith.constant 0 : i32
    %dma_start3A_42 = arith.constant 0 : i32
    %dma_start3A_43 = tpu.memref_slice %dma_start3A_40[%dma_start3A_41, %dma_start3A_42] : memref<4000x128xf32, #tpu.memory_space<hbm>> -> memref<4000x128xf32, #tpu.memory_space<hbm>>
    tpu.enqueue_indirect_dma source(%dma_start3A_43 : memref<4000x128xf32, #tpu.memory_space<hbm>>) target(%arg8 : memref<32x128xf32, #tpu.memory_space<vmem>>) offsets(%arg7 : memref<32xi32, #tpu.memory_space<vmem>>) semaphore(%arg12 : memref<!tpu.dma_semaphore, #tpu.memory_space<semaphore_mem>>)
    %run_scoped3A_44 = arith.constant 2 : i32
    %run_scoped3A_45 = arith.constant 0 : i32
    "tpu.region"() ({
      %run_scoped3A_100 = tpu.sem_alloc : memref<!tpu.dma_semaphore, #tpu.memory_space<semaphore_mem>>
      %dma_start3A_101 = arith.constant 0 : i32
      %dma_start3A_102 = tpu.memref_slice %arg4[%run_scoped3A_44, %run_scoped3A_45, %dma_start3A_101] : memref<6x1x16384xi32, #tpu.memory_space<hbm>> -> memref<1x1x16384xi32, #tpu.memory_space<hbm>>
      %dma_start3A_103 = tpu.memref_squeeze %dma_start3A_102 : memref<1x1x16384xi32, #tpu.memory_space<hbm>> -> memref<16384xi32, #tpu.memory_space<hbm>>
      %dma_start3A_104 = arith.constant 0 : i32
      %dma_start3A_105 = tpu.memref_slice %arg4[%run_scoped3A_44, %run_scoped3A_45, %dma_start3A_104] : memref<6x1x16384xi32, #tpu.memory_space<hbm>> -> memref<1x1x16384xi32, #tpu.memory_space<hbm>>
      %dma_start3A_106 = tpu.memref_squeeze %dma_start3A_105 : memref<1x1x16384xi32, #tpu.memory_space<hbm>> -> memref<16384xi32, #tpu.memory_space<hbm>>
      tpu.enqueue_dma source(%dma_start3A_106 : memref<16384xi32, #tpu.memory_space<hbm>>) target(%arg9 : memref<16384xi32, #tpu.memory_space<vmem>>) target_semaphore(%run_scoped3A_100 : memref<!tpu.dma_semaphore, #tpu.memory_space<semaphore_mem>>)
      %dma_wait3A_107 = arith.constant 0 : i32
      %dma_wait3A_108 = tpu.memref_slice %arg4[%run_scoped3A_44, %run_scoped3A_45, %dma_wait3A_107] : memref<6x1x16384xi32, #tpu.memory_space<hbm>> -> memref<1x1x16384xi32, #tpu.memory_space<hbm>>
      %dma_wait3A_109 = tpu.memref_squeeze %dma_wait3A_108 : memref<1x1x16384xi32, #tpu.memory_space<hbm>> -> memref<16384xi32, #tpu.memory_space<hbm>>
      %dma_wait3A_110 = arith.constant 0 : i32
      %dma_wait3A_111 = tpu.memref_slice %arg4[%run_scoped3A_44, %run_scoped3A_45, %dma_wait3A_110] : memref<6x1x16384xi32, #tpu.memory_space<hbm>> -> memref<1x1x16384xi32, #tpu.memory_space<hbm>>
      %dma_wait3A_112 = tpu.memref_squeeze %dma_wait3A_111 : memref<1x1x16384xi32, #tpu.memory_space<hbm>> -> memref<16384xi32, #tpu.memory_space<hbm>>
      tpu.wait_dma2 semaphore(%run_scoped3A_100 : memref<!tpu.dma_semaphore, #tpu.memory_space<semaphore_mem>>) src(%dma_wait3A_112 : memref<16384xi32, #tpu.memory_space<hbm>>) dst(%arg9 : memref<16384xi32, #tpu.memory_space<vmem>>)
      tpu.yield
    }) : () -> ()
    %run_scoped3A_46 = arith.constant 3 : i32
    %run_scoped3A_47 = arith.constant 0 : i32
    "tpu.region"() ({
      %run_scoped3A_100 = tpu.sem_alloc : memref<!tpu.dma_semaphore, #tpu.memory_space<semaphore_mem>>
      %dma_start3A_101 = arith.constant 0 : i32
      %dma_start3A_102 = tpu.memref_slice %arg4[%run_scoped3A_46, %run_scoped3A_47, %dma_start3A_101] : memref<6x1x16384xi32, #tpu.memory_space<hbm>> -> memref<1x1x16384xi32, #tpu.memory_space<hbm>>
      %dma_start3A_103 = tpu.memref_squeeze %dma_start3A_102 : memref<1x1x16384xi32, #tpu.memory_space<hbm>> -> memref<16384xi32, #tpu.memory_space<hbm>>
      %dma_start3A_104 = arith.constant 0 : i32
      %dma_start3A_105 = tpu.memref_slice %arg4[%run_scoped3A_46, %run_scoped3A_47, %dma_start3A_104] : memref<6x1x16384xi32, #tpu.memory_space<hbm>> -> memref<1x1x16384xi32, #tpu.memory_space<hbm>>
      %dma_start3A_106 = tpu.memref_squeeze %dma_start3A_105 : memref<1x1x16384xi32, #tpu.memory_space<hbm>> -> memref<16384xi32, #tpu.memory_space<hbm>>
      tpu.enqueue_dma source(%dma_start3A_106 : memref<16384xi32, #tpu.memory_space<hbm>>) target(%arg10 : memref<16384xi32, #tpu.memory_space<vmem>>) target_semaphore(%run_scoped3A_100 : memref<!tpu.dma_semaphore, #tpu.memory_space<semaphore_mem>>)
      %dma_wait3A_107 = arith.constant 0 : i32
      %dma_wait3A_108 = tpu.memref_slice %arg4[%run_scoped3A_46, %run_scoped3A_47, %dma_wait3A_107] : memref<6x1x16384xi32, #tpu.memory_space<hbm>> -> memref<1x1x16384xi32, #tpu.memory_space<hbm>>
      %dma_wait3A_109 = tpu.memref_squeeze %dma_wait3A_108 : memref<1x1x16384xi32, #tpu.memory_space<hbm>> -> memref<16384xi32, #tpu.memory_space<hbm>>
      %dma_wait3A_110 = arith.constant 0 : i32
      %dma_wait3A_111 = tpu.memref_slice %arg4[%run_scoped3A_46, %run_scoped3A_47, %dma_wait3A_110] : memref<6x1x16384xi32, #tpu.memory_space<hbm>> -> memref<1x1x16384xi32, #tpu.memory_space<hbm>>
      %dma_wait3A_112 = tpu.memref_squeeze %dma_wait3A_111 : memref<1x1x16384xi32, #tpu.memory_space<hbm>> -> memref<16384xi32, #tpu.memory_space<hbm>>
      tpu.wait_dma2 semaphore(%run_scoped3A_100 : memref<!tpu.dma_semaphore, #tpu.memory_space<semaphore_mem>>) src(%dma_wait3A_112 : memref<16384xi32, #tpu.memory_space<hbm>>) dst(%arg10 : memref<16384xi32, #tpu.memory_space<vmem>>)
      tpu.yield
    }) : () -> ()
    %parallel_loop3A_48 = arith.constant 0 : i32
    %parallel_loop3A_49 = arith.constant 2048 : i32
    %parallel_loop3A_50 = arith.constant 1 : i32
    scf.for %parallel_loop3A_100 = %parallel_loop3A_48 to %parallel_loop3A_49 step %parallel_loop3A_50  : i32 {
      %parallel_loop3A_101 = arith.constant 64 : i32
      %parallel_loop3A_102 = arith.divsi %parallel_loop3A_100, %parallel_loop3A_101 : i32
      %parallel_loop3A_103 = arith.constant 0 : i32
      %parallel_loop3A_104 = arith.cmpi sgt, %parallel_loop3A_100, %parallel_loop3A_103 : i32
      %parallel_loop3A_105 = arith.extui %parallel_loop3A_104 : i1 to i32
      %parallel_loop3A_106 = arith.constant 0 : i32
      %parallel_loop3A_107 = arith.cmpi slt, %parallel_loop3A_100, %parallel_loop3A_106 : i32
      %parallel_loop3A_108 = arith.extui %parallel_loop3A_107 : i1 to i32
      %parallel_loop3A_109 = arith.subi %parallel_loop3A_105, %parallel_loop3A_108 : i32
      %parallel_loop3A_110 = arith.constant 0 : i32
      %parallel_loop3A_111 = arith.cmpi sgt, %parallel_loop3A_101, %parallel_loop3A_110 : i32
      %parallel_loop3A_112 = arith.extui %parallel_loop3A_111 : i1 to i32
      %parallel_loop3A_113 = arith.constant 0 : i32
      %parallel_loop3A_114 = arith.cmpi slt, %parallel_loop3A_101, %parallel_loop3A_113 : i32
      %parallel_loop3A_115 = arith.extui %parallel_loop3A_114 : i1 to i32
      %parallel_loop3A_116 = arith.subi %parallel_loop3A_112, %parallel_loop3A_115 : i32
      %parallel_loop3A_117 = arith.cmpi ne, %parallel_loop3A_109, %parallel_loop3A_116 : i32
      %parallel_loop3A_118 = arith.remsi %parallel_loop3A_100, %parallel_loop3A_101 : i32
      %parallel_loop3A_119 = arith.constant 0 : i32
      %parallel_loop3A_120 = arith.cmpi ne, %parallel_loop3A_118, %parallel_loop3A_119 : i32
      %parallel_loop3A_121 = arith.andi %parallel_loop3A_117, %parallel_loop3A_120 : i1
      %parallel_loop3A_122 = arith.constant 1 : i32
      %parallel_loop3A_123 = arith.subi %parallel_loop3A_102, %parallel_loop3A_122 : i32
      %parallel_loop3A_124 = arith.select %parallel_loop3A_121, %parallel_loop3A_123, %parallel_loop3A_102 : i32
      %parallel_loop3A_125 = arith.constant 64 : i32
      %parallel_loop3A_126 = arith.constant 0 : i32
      %parallel_loop3A_127 = arith.cmpi eq, %parallel_loop3A_125, %parallel_loop3A_126 : i32
      %parallel_loop3A_128 = arith.constant 1 : i32
      %parallel_loop3A_129 = arith.select %parallel_loop3A_127, %parallel_loop3A_128, %parallel_loop3A_125 : i32
      %parallel_loop3A_130 = arith.remsi %parallel_loop3A_100, %parallel_loop3A_129 : i32
      %parallel_loop3A_131 = arith.constant 0 : i32
      %parallel_loop3A_132 = arith.cmpi ne, %parallel_loop3A_130, %parallel_loop3A_131 : i32
      %parallel_loop3A_133 = arith.constant 0 : i32
      %parallel_loop3A_134 = arith.cmpi slt, %parallel_loop3A_130, %parallel_loop3A_133 : i32
      %parallel_loop3A_135 = arith.constant 0 : i32
      %parallel_loop3A_136 = arith.cmpi slt, %parallel_loop3A_129, %parallel_loop3A_135 : i32
      %parallel_loop3A_137 = arith.xori %parallel_loop3A_134, %parallel_loop3A_136 : i1
      %parallel_loop3A_138 = arith.andi %parallel_loop3A_137, %parallel_loop3A_132 : i1
      %parallel_loop3A_139 = arith.addi %parallel_loop3A_130, %parallel_loop3A_129 : i32
      %parallel_loop3A_140 = arith.select %parallel_loop3A_138, %parallel_loop3A_139, %parallel_loop3A_130 : i32
      %parallel_loop3A_141 = arith.constant 16 : i32
      %parallel_loop3A_142 = arith.muli %parallel_loop3A_140, %parallel_loop3A_141 : i32
      %parallel_loop3A_143 = arith.index_cast %parallel_loop3A_124 : i32 to index
      %parallel_loop3A_144 = arith.index_cast %parallel_loop3A_142 : i32 to index
      %parallel_loop3A_145 = tpu.vector_load %arg11[%parallel_loop3A_143, %parallel_loop3A_144] {strides = array<i32>} : memref<32x1024xf32, #tpu.memory_space<vmem>>, vector<16xf32>,
      tpu.vector_store %arg11[%parallel_loop3A_143, %parallel_loop3A_144], %broadcast_in_dim3A_3 {strides = array<i32>} : memref<32x1024xf32, #tpu.memory_space<vmem>>, vector<16xf32>,
    } {sc.loop_unroll_factor = 8 : i64, sc.parallel_access}
    %scan3A_51 = arith.constant 0 : i32
    %scan3A_52 = arith.constant 0 : i32
    %scan3A_53 = arith.constant 1024 : i32
    %scan3A_54 = arith.addi %scan3A_52, %scan3A_53 : i32
    %scan3A_55 = arith.constant 1 : i32
    scf.for %scan3A_100 = %scan3A_52 to %scan3A_54 step %scan3A_55  : i32 {
      %mul3A_101 = arith.constant 16 : i32
      %mul3A_102 = arith.muli %scan3A_100, %mul3A_101 : i32
      %get3A = arith.index_cast %mul3A_102 : i32 to index
      %get3A_103 = tpu.vector_load %arg9[%get3A] {strides = array<i32>} : memref<16384xi32, #tpu.memory_space<vmem>>, vector<16xi32>,
      %mul3A_104 = arith.constant 16 : i32
      %mul3A_105 = arith.muli %scan3A_100, %mul3A_104 : i32
      %get3A_106 = arith.index_cast %mul3A_105 : i32 to index
      %get3A_107 = tpu.vector_load %arg10[%get3A_106] {strides = array<i32>} : memref<16384xi32, #tpu.memory_space<vmem>>, vector<16xi32>,
      %sub3A = vector.broadcast %mul3A_2 : i32 to vector<16xi32>
      %sub3A_108 = arith.subi %get3A_107, %sub3A : vector<16xi32>
      %ge3A = arith.constant 0 : i32
      %ge3A_109 = vector.broadcast %ge3A : i32 to vector<16xi32>
      %ge3A_110 = arith.cmpi sge, %sub3A_108, %ge3A_109 : vector<16xi32>
      %lt3A = arith.constant 32 : i32
      %lt3A_111 = vector.broadcast %lt3A : i32 to vector<16xi32>
      %lt3A_112 = arith.cmpi slt, %sub3A_108, %lt3A_111 : vector<16xi32>
      %and3A = arith.andi %ge3A_110, %lt3A_112 : vector<16xi1>
      %jit3A = arith.constant 0 : i32
      %broadcast_in_dim3A_113 = vector.broadcast %jit3A : i32 to vector<16xi32>
      %select_n3A = arith.select %and3A, %sub3A_108, %broadcast_in_dim3A_113 : vector<16xi1>, vector<16xi32>
      tpu.vector_store_idx %arg11[%select_n3A, %get3A_103], %broadcast_in_dim3A_5 masked %and3A {add = true} : memref<32x1024xf32, #tpu.memory_space<vmem>>[vector<16xi32>, vector<16xi32>], vector<16xf32>, vector<16xi1>
    }
    %scan3A_56 = arith.constant 1024 : i32
    %run_scoped3A_57 = arith.constant 1 : i32
    "tpu.region"() ({
      %run_scoped3A_100 = tpu.sem_alloc : memref<!tpu.dma_semaphore, #tpu.memory_space<semaphore_mem>>
      %dma_start3A_101 = arith.constant 0 : i32
      %dma_start3A_102 = tpu.memref_slice %arg6[%run_scoped3A_57, %mul3A_2, %dma_start3A_101] : memref<3x1024x1024xf32, #tpu.memory_space<hbm>> -> memref<1x32x1024xf32, #tpu.memory_space<hbm>>
      %dma_start3A_103 = tpu.memref_squeeze %dma_start3A_102 : memref<1x32x1024xf32, #tpu.memory_space<hbm>> -> memref<32x1024xf32, #tpu.memory_space<hbm>>
      %dma_start3A_104 = arith.constant 0 : i32
      %dma_start3A_105 = tpu.memref_slice %arg6[%run_scoped3A_57, %mul3A_2, %dma_start3A_104] : memref<3x1024x1024xf32, #tpu.memory_space<hbm>> -> memref<1x32x1024xf32, #tpu.memory_space<hbm>>
      %dma_start3A_106 = tpu.memref_squeeze %dma_start3A_105 : memref<1x32x1024xf32, #tpu.memory_space<hbm>> -> memref<32x1024xf32, #tpu.memory_space<hbm>>
      tpu.enqueue_dma source(%arg11 : memref<32x1024xf32, #tpu.memory_space<vmem>>) target(%dma_start3A_106 : memref<32x1024xf32, #tpu.memory_space<hbm>>) target_semaphore(%run_scoped3A_100 : memref<!tpu.dma_semaphore, #tpu.memory_space<semaphore_mem>>)
      %dma_wait3A_107 = arith.constant 0 : i32
      %dma_wait3A_108 = tpu.memref_slice %arg6[%run_scoped3A_57, %mul3A_2, %dma_wait3A_107] : memref<3x1024x1024xf32, #tpu.memory_space<hbm>> -> memref<1x32x1024xf32, #tpu.memory_space<hbm>>
      %dma_wait3A_109 = tpu.memref_squeeze %dma_wait3A_108 : memref<1x32x1024xf32, #tpu.memory_space<hbm>> -> memref<32x1024xf32, #tpu.memory_space<hbm>>
      %dma_wait3A_110 = arith.constant 0 : i32
      %dma_wait3A_111 = tpu.memref_slice %arg6[%run_scoped3A_57, %mul3A_2, %dma_wait3A_110] : memref<3x1024x1024xf32, #tpu.memory_space<hbm>> -> memref<1x32x1024xf32, #tpu.memory_space<hbm>>
      %dma_wait3A_112 = tpu.memref_squeeze %dma_wait3A_111 : memref<1x32x1024xf32, #tpu.memory_space<hbm>> -> memref<32x1024xf32, #tpu.memory_space<hbm>>
      tpu.wait_dma2 semaphore(%run_scoped3A_100 : memref<!tpu.dma_semaphore, #tpu.memory_space<semaphore_mem>>) src(%arg11 : memref<32x1024xf32, #tpu.memory_space<vmem>>) dst(%dma_wait3A_112 : memref<32x1024xf32, #tpu.memory_space<hbm>>)
      tpu.yield
    }) : () -> ()
    %dma_wait3A_58 = arith.constant 1 : i32
    %dma_wait3A_59 = arith.constant 0 : i32
    %dma_wait3A_60 = arith.constant 0 : i32
    %dma_wait3A_61 = tpu.memref_slice %arg2[%dma_wait3A_58, %dma_wait3A_59, %dma_wait3A_60] : memref<3x4000x128xf32, #tpu.memory_space<hbm>> -> memref<1x4000x128xf32, #tpu.memory_space<hbm>>
    %dma_wait3A_62 = tpu.memref_squeeze %dma_wait3A_61 : memref<1x4000x128xf32, #tpu.memory_space<hbm>> -> memref<4000x128xf32, #tpu.memory_space<hbm>>
    %dma_wait3A_63 = arith.constant 0 : i32
    %dma_wait3A_64 = arith.constant 0 : i32
    %dma_wait3A_65 = tpu.memref_slice %dma_wait3A_62[%dma_wait3A_63, %dma_wait3A_64] : memref<4000x128xf32, #tpu.memory_space<hbm>> -> memref<4000x128xf32, #tpu.memory_space<hbm>>
    tpu.wait_indirect_dma semaphore(%arg12 : memref<!tpu.dma_semaphore, #tpu.memory_space<semaphore_mem>>) src(%dma_wait3A_65 : memref<4000x128xf32, #tpu.memory_space<hbm>>) dst(%arg8 : memref<32x128xf32, #tpu.memory_space<vmem>>)
    %run_scoped3A_66 = arith.constant 1 : i32
    "tpu.region"() ({
      %run_scoped3A_100 = tpu.sem_alloc : memref<!tpu.dma_semaphore, #tpu.memory_space<semaphore_mem>>
      %dma_start3A_101 = arith.constant 0 : i32
      %dma_start3A_102 = tpu.memref_slice %arg5[%run_scoped3A_66, %mul3A_2, %dma_start3A_101] : memref<3x1024x128xf32, #tpu.memory_space<hbm>> -> memref<1x32x128xf32, #tpu.memory_space<hbm>>
      %dma_start3A_103 = tpu.memref_squeeze %dma_start3A_102 : memref<1x32x128xf32, #tpu.memory_space<hbm>> -> memref<32x128xf32, #tpu.memory_space<hbm>>
      %dma_start3A_104 = arith.constant 0 : i32
      %dma_start3A_105 = tpu.memref_slice %arg5[%run_scoped3A_66, %mul3A_2, %dma_start3A_104] : memref<3x1024x128xf32, #tpu.memory_space<hbm>> -> memref<1x32x128xf32, #tpu.memory_space<hbm>>
      %dma_start3A_106 = tpu.memref_squeeze %dma_start3A_105 : memref<1x32x128xf32, #tpu.memory_space<hbm>> -> memref<32x128xf32, #tpu.memory_space<hbm>>
      tpu.enqueue_dma source(%arg8 : memref<32x128xf32, #tpu.memory_space<vmem>>) target(%dma_start3A_106 : memref<32x128xf32, #tpu.memory_space<hbm>>) target_semaphore(%run_scoped3A_100 : memref<!tpu.dma_semaphore, #tpu.memory_space<semaphore_mem>>)
      %dma_wait3A_107 = arith.constant 0 : i32
      %dma_wait3A_108 = tpu.memref_slice %arg5[%run_scoped3A_66, %mul3A_2, %dma_wait3A_107] : memref<3x1024x128xf32, #tpu.memory_space<hbm>> -> memref<1x32x128xf32, #tpu.memory_space<hbm>>
      %dma_wait3A_109 = tpu.memref_squeeze %dma_wait3A_108 : memref<1x32x128xf32, #tpu.memory_space<hbm>> -> memref<32x128xf32, #tpu.memory_space<hbm>>
      %dma_wait3A_110 = arith.constant 0 : i32
      %dma_wait3A_111 = tpu.memref_slice %arg5[%run_scoped3A_66, %mul3A_2, %dma_wait3A_110] : memref<3x1024x128xf32, #tpu.memory_space<hbm>> -> memref<1x32x128xf32, #tpu.memory_space<hbm>>
      %dma_wait3A_112 = tpu.memref_squeeze %dma_wait3A_111 : memref<1x32x128xf32, #tpu.memory_space<hbm>> -> memref<32x128xf32, #tpu.memory_space<hbm>>
      tpu.wait_dma2 semaphore(%run_scoped3A_100 : memref<!tpu.dma_semaphore, #tpu.memory_space<semaphore_mem>>) src(%arg8 : memref<32x128xf32, #tpu.memory_space<vmem>>) dst(%dma_wait3A_112 : memref<32x128xf32, #tpu.memory_space<hbm>>)
      tpu.yield
    }) : () -> ()
    %run_scoped3A_67 = arith.constant 2 : i32
    %run_scoped3A_68 = arith.constant 0 : i32
    "tpu.region"() ({
      %run_scoped3A_100 = tpu.sem_alloc : memref<!tpu.dma_semaphore, #tpu.memory_space<semaphore_mem>>
      %dma_start3A_101 = tpu.memref_slice %arg3[%run_scoped3A_67, %run_scoped3A_68, %mul3A_2] : memref<3x1x1024xi32, #tpu.memory_space<hbm>> -> memref<1x1x32xi32, #tpu.memory_space<hbm>>
      %dma_start3A_102 = tpu.memref_squeeze %dma_start3A_101 : memref<1x1x32xi32, #tpu.memory_space<hbm>> -> memref<32xi32, #tpu.memory_space<hbm>>
      %dma_start3A_103 = tpu.memref_slice %arg3[%run_scoped3A_67, %run_scoped3A_68, %mul3A_2] : memref<3x1x1024xi32, #tpu.memory_space<hbm>> -> memref<1x1x32xi32, #tpu.memory_space<hbm>>
      %dma_start3A_104 = tpu.memref_squeeze %dma_start3A_103 : memref<1x1x32xi32, #tpu.memory_space<hbm>> -> memref<32xi32, #tpu.memory_space<hbm>>
      tpu.enqueue_dma source(%dma_start3A_104 : memref<32xi32, #tpu.memory_space<hbm>>) target(%arg7 : memref<32xi32, #tpu.memory_space<vmem>>) target_semaphore(%run_scoped3A_100 : memref<!tpu.dma_semaphore, #tpu.memory_space<semaphore_mem>>)
      %dma_wait3A_105 = tpu.memref_slice %arg3[%run_scoped3A_67, %run_scoped3A_68, %mul3A_2] : memref<3x1x1024xi32, #tpu.memory_space<hbm>> -> memref<1x1x32xi32, #tpu.memory_space<hbm>>
      %dma_wait3A_106 = tpu.memref_squeeze %dma_wait3A_105 : memref<1x1x32xi32, #tpu.memory_space<hbm>> -> memref<32xi32, #tpu.memory_space<hbm>>
      %dma_wait3A_107 = tpu.memref_slice %arg3[%run_scoped3A_67, %run_scoped3A_68, %mul3A_2] : memref<3x1x1024xi32, #tpu.memory_space<hbm>> -> memref<1x1x32xi32, #tpu.memory_space<hbm>>
      %dma_wait3A_108 = tpu.memref_squeeze %dma_wait3A_107 : memref<1x1x32xi32, #tpu.memory_space<hbm>> -> memref<32xi32, #tpu.memory_space<hbm>>
      tpu.wait_dma2 semaphore(%run_scoped3A_100 : memref<!tpu.dma_semaphore, #tpu.memory_space<semaphore_mem>>) src(%dma_wait3A_108 : memref<32xi32, #tpu.memory_space<hbm>>) dst(%arg7 : memref<32xi32, #tpu.memory_space<vmem>>)
      tpu.yield
    }) : () -> ()
    %dma_start3A_69 = arith.constant 2 : i32
    %dma_start3A_70 = arith.constant 0 : i32
    %dma_start3A_71 = arith.constant 0 : i32
    %dma_start3A_72 = tpu.memref_slice %arg2[%dma_start3A_69, %dma_start3A_70, %dma_start3A_71] : memref<3x4000x128xf32, #tpu.memory_space<hbm>> -> memref<1x4000x128xf32, #tpu.memory_space<hbm>>
    %dma_start3A_73 = tpu.memref_squeeze %dma_start3A_72 : memref<1x4000x128xf32, #tpu.memory_space<hbm>> -> memref<4000x128xf32, #tpu.memory_space<hbm>>
    %dma_start3A_74 = arith.constant 0 : i32
    %dma_start3A_75 = arith.constant 0 : i32
    %dma_start3A_76 = tpu.memref_slice %dma_start3A_73[%dma_start3A_74, %dma_start3A_75] : memref<4000x128xf32, #tpu.memory_space<hbm>> -> memref<4000x128xf32, #tpu.memory_space<hbm>>
    tpu.enqueue_indirect_dma source(%dma_start3A_76 : memref<4000x128xf32, #tpu.memory_space<hbm>>) target(%arg8 : memref<32x128xf32, #tpu.memory_space<vmem>>) offsets(%arg7 : memref<32xi32, #tpu.memory_space<vmem>>) semaphore(%arg12 : memref<!tpu.dma_semaphore, #tpu.memory_space<semaphore_mem>>)
    %run_scoped3A_77 = arith.constant 4 : i32
    %run_scoped3A_78 = arith.constant 0 : i32
    "tpu.region"() ({
      %run_scoped3A_100 = tpu.sem_alloc : memref<!tpu.dma_semaphore, #tpu.memory_space<semaphore_mem>>
      %dma_start3A_101 = arith.constant 0 : i32
      %dma_start3A_102 = tpu.memref_slice %arg4[%run_scoped3A_77, %run_scoped3A_78, %dma_start3A_101] : memref<6x1x16384xi32, #tpu.memory_space<hbm>> -> memref<1x1x16384xi32, #tpu.memory_space<hbm>>
      %dma_start3A_103 = tpu.memref_squeeze %dma_start3A_102 : memref<1x1x16384xi32, #tpu.memory_space<hbm>> -> memref<16384xi32, #tpu.memory_space<hbm>>
      %dma_start3A_104 = arith.constant 0 : i32
      %dma_start3A_105 = tpu.memref_slice %arg4[%run_scoped3A_77, %run_scoped3A_78, %dma_start3A_104] : memref<6x1x16384xi32, #tpu.memory_space<hbm>> -> memref<1x1x16384xi32, #tpu.memory_space<hbm>>
      %dma_start3A_106 = tpu.memref_squeeze %dma_start3A_105 : memref<1x1x16384xi32, #tpu.memory_space<hbm>> -> memref<16384xi32, #tpu.memory_space<hbm>>
      tpu.enqueue_dma source(%dma_start3A_106 : memref<16384xi32, #tpu.memory_space<hbm>>) target(%arg9 : memref<16384xi32, #tpu.memory_space<vmem>>) target_semaphore(%run_scoped3A_100 : memref<!tpu.dma_semaphore, #tpu.memory_space<semaphore_mem>>)
      %dma_wait3A_107 = arith.constant 0 : i32
      %dma_wait3A_108 = tpu.memref_slice %arg4[%run_scoped3A_77, %run_scoped3A_78, %dma_wait3A_107] : memref<6x1x16384xi32, #tpu.memory_space<hbm>> -> memref<1x1x16384xi32, #tpu.memory_space<hbm>>
      %dma_wait3A_109 = tpu.memref_squeeze %dma_wait3A_108 : memref<1x1x16384xi32, #tpu.memory_space<hbm>> -> memref<16384xi32, #tpu.memory_space<hbm>>
      %dma_wait3A_110 = arith.constant 0 : i32
      %dma_wait3A_111 = tpu.memref_slice %arg4[%run_scoped3A_77, %run_scoped3A_78, %dma_wait3A_110] : memref<6x1x16384xi32, #tpu.memory_space<hbm>> -> memref<1x1x16384xi32, #tpu.memory_space<hbm>>
      %dma_wait3A_112 = tpu.memref_squeeze %dma_wait3A_111 : memref<1x1x16384xi32, #tpu.memory_space<hbm>> -> memref<16384xi32, #tpu.memory_space<hbm>>
      tpu.wait_dma2 semaphore(%run_scoped3A_100 : memref<!tpu.dma_semaphore, #tpu.memory_space<semaphore_mem>>) src(%dma_wait3A_112 : memref<16384xi32, #tpu.memory_space<hbm>>) dst(%arg9 : memref<16384xi32, #tpu.memory_space<vmem>>)
      tpu.yield
    }) : () -> ()
    %run_scoped3A_79 = arith.constant 5 : i32
    %run_scoped3A_80 = arith.constant 0 : i32
    "tpu.region"() ({
      %run_scoped3A_100 = tpu.sem_alloc : memref<!tpu.dma_semaphore, #tpu.memory_space<semaphore_mem>>
      %dma_start3A_101 = arith.constant 0 : i32
      %dma_start3A_102 = tpu.memref_slice %arg4[%run_scoped3A_79, %run_scoped3A_80, %dma_start3A_101] : memref<6x1x16384xi32, #tpu.memory_space<hbm>> -> memref<1x1x16384xi32, #tpu.memory_space<hbm>>
      %dma_start3A_103 = tpu.memref_squeeze %dma_start3A_102 : memref<1x1x16384xi32, #tpu.memory_space<hbm>> -> memref<16384xi32, #tpu.memory_space<hbm>>
      %dma_start3A_104 = arith.constant 0 : i32
      %dma_start3A_105 = tpu.memref_slice %arg4[%run_scoped3A_79, %run_scoped3A_80, %dma_start3A_104] : memref<6x1x16384xi32, #tpu.memory_space<hbm>> -> memref<1x1x16384xi32, #tpu.memory_space<hbm>>
      %dma_start3A_106 = tpu.memref_squeeze %dma_start3A_105 : memref<1x1x16384xi32, #tpu.memory_space<hbm>> -> memref<16384xi32, #tpu.memory_space<hbm>>
      tpu.enqueue_dma source(%dma_start3A_106 : memref<16384xi32, #tpu.memory_space<hbm>>) target(%arg10 : memref<16384xi32, #tpu.memory_space<vmem>>) target_semaphore(%run_scoped3A_100 : memref<!tpu.dma_semaphore, #tpu.memory_space<semaphore_mem>>)
      %dma_wait3A_107 = arith.constant 0 : i32
      %dma_wait3A_108 = tpu.memref_slice %arg4[%run_scoped3A_79, %run_scoped3A_80, %dma_wait3A_107] : memref<6x1x16384xi32, #tpu.memory_space<hbm>> -> memref<1x1x16384xi32, #tpu.memory_space<hbm>>
      %dma_wait3A_109 = tpu.memref_squeeze %dma_wait3A_108 : memref<1x1x16384xi32, #tpu.memory_space<hbm>> -> memref<16384xi32, #tpu.memory_space<hbm>>
      %dma_wait3A_110 = arith.constant 0 : i32
      %dma_wait3A_111 = tpu.memref_slice %arg4[%run_scoped3A_79, %run_scoped3A_80, %dma_wait3A_110] : memref<6x1x16384xi32, #tpu.memory_space<hbm>> -> memref<1x1x16384xi32, #tpu.memory_space<hbm>>
      %dma_wait3A_112 = tpu.memref_squeeze %dma_wait3A_111 : memref<1x1x16384xi32, #tpu.memory_space<hbm>> -> memref<16384xi32, #tpu.memory_space<hbm>>
      tpu.wait_dma2 semaphore(%run_scoped3A_100 : memref<!tpu.dma_semaphore, #tpu.memory_space<semaphore_mem>>) src(%dma_wait3A_112 : memref<16384xi32, #tpu.memory_space<hbm>>) dst(%arg10 : memref<16384xi32, #tpu.memory_space<vmem>>)
      tpu.yield
    }) : () -> ()
    %parallel_loop3A_81 = arith.constant 0 : i32
    %parallel_loop3A_82 = arith.constant 2048 : i32
    %parallel_loop3A_83 = arith.constant 1 : i32
    scf.for %parallel_loop3A_100 = %parallel_loop3A_81 to %parallel_loop3A_82 step %parallel_loop3A_83  : i32 {
      %parallel_loop3A_101 = arith.constant 64 : i32
      %parallel_loop3A_102 = arith.divsi %parallel_loop3A_100, %parallel_loop3A_101 : i32
      %parallel_loop3A_103 = arith.constant 0 : i32
      %parallel_loop3A_104 = arith.cmpi sgt, %parallel_loop3A_100, %parallel_loop3A_103 : i32
      %parallel_loop3A_105 = arith.extui %parallel_loop3A_104 : i1 to i32
      %parallel_loop3A_106 = arith.constant 0 : i32
      %parallel_loop3A_107 = arith.cmpi slt, %parallel_loop3A_100, %parallel_loop3A_106 : i32
      %parallel_loop3A_108 = arith.extui %parallel_loop3A_107 : i1 to i32
      %parallel_loop3A_109 = arith.subi %parallel_loop3A_105, %parallel_loop3A_108 : i32
      %parallel_loop3A_110 = arith.constant 0 : i32
      %parallel_loop3A_111 = arith.cmpi sgt, %parallel_loop3A_101, %parallel_loop3A_110 : i32
      %parallel_loop3A_112 = arith.extui %parallel_loop3A_111 : i1 to i32
      %parallel_loop3A_113 = arith.constant 0 : i32
      %parallel_loop3A_114 = arith.cmpi slt, %parallel_loop3A_101, %parallel_loop3A_113 : i32
      %parallel_loop3A_115 = arith.extui %parallel_loop3A_114 : i1 to i32
      %parallel_loop3A_116 = arith.subi %parallel_loop3A_112, %parallel_loop3A_115 : i32
      %parallel_loop3A_117 = arith.cmpi ne, %parallel_loop3A_109, %parallel_loop3A_116 : i32
      %parallel_loop3A_118 = arith.remsi %parallel_loop3A_100, %parallel_loop3A_101 : i32
      %parallel_loop3A_119 = arith.constant 0 : i32
      %parallel_loop3A_120 = arith.cmpi ne, %parallel_loop3A_118, %parallel_loop3A_119 : i32
      %parallel_loop3A_121 = arith.andi %parallel_loop3A_117, %parallel_loop3A_120 : i1
      %parallel_loop3A_122 = arith.constant 1 : i32
      %parallel_loop3A_123 = arith.subi %parallel_loop3A_102, %parallel_loop3A_122 : i32
      %parallel_loop3A_124 = arith.select %parallel_loop3A_121, %parallel_loop3A_123, %parallel_loop3A_102 : i32
      %parallel_loop3A_125 = arith.constant 64 : i32
      %parallel_loop3A_126 = arith.constant 0 : i32
      %parallel_loop3A_127 = arith.cmpi eq, %parallel_loop3A_125, %parallel_loop3A_126 : i32
      %parallel_loop3A_128 = arith.constant 1 : i32
      %parallel_loop3A_129 = arith.select %parallel_loop3A_127, %parallel_loop3A_128, %parallel_loop3A_125 : i32
      %parallel_loop3A_130 = arith.remsi %parallel_loop3A_100, %parallel_loop3A_129 : i32
      %parallel_loop3A_131 = arith.constant 0 : i32
      %parallel_loop3A_132 = arith.cmpi ne, %parallel_loop3A_130, %parallel_loop3A_131 : i32
      %parallel_loop3A_133 = arith.constant 0 : i32
      %parallel_loop3A_134 = arith.cmpi slt, %parallel_loop3A_130, %parallel_loop3A_133 : i32
      %parallel_loop3A_135 = arith.constant 0 : i32
      %parallel_loop3A_136 = arith.cmpi slt, %parallel_loop3A_129, %parallel_loop3A_135 : i32
      %parallel_loop3A_137 = arith.xori %parallel_loop3A_134, %parallel_loop3A_136 : i1
      %parallel_loop3A_138 = arith.andi %parallel_loop3A_137, %parallel_loop3A_132 : i1
      %parallel_loop3A_139 = arith.addi %parallel_loop3A_130, %parallel_loop3A_129 : i32
      %parallel_loop3A_140 = arith.select %parallel_loop3A_138, %parallel_loop3A_139, %parallel_loop3A_130 : i32
      %parallel_loop3A_141 = arith.constant 16 : i32
      %parallel_loop3A_142 = arith.muli %parallel_loop3A_140, %parallel_loop3A_141 : i32
      %parallel_loop3A_143 = arith.index_cast %parallel_loop3A_124 : i32 to index
      %parallel_loop3A_144 = arith.index_cast %parallel_loop3A_142 : i32 to index
      %parallel_loop3A_145 = tpu.vector_load %arg11[%parallel_loop3A_143, %parallel_loop3A_144] {strides = array<i32>} : memref<32x1024xf32, #tpu.memory_space<vmem>>, vector<16xf32>,
      tpu.vector_store %arg11[%parallel_loop3A_143, %parallel_loop3A_144], %broadcast_in_dim3A_3 {strides = array<i32>} : memref<32x1024xf32, #tpu.memory_space<vmem>>, vector<16xf32>,
    } {sc.loop_unroll_factor = 8 : i64, sc.parallel_access}
    %scan3A_84 = arith.constant 0 : i32
    %scan3A_85 = arith.constant 0 : i32
    %scan3A_86 = arith.constant 1024 : i32
    %scan3A_87 = arith.addi %scan3A_85, %scan3A_86 : i32
    %scan3A_88 = arith.constant 1 : i32
    scf.for %scan3A_100 = %scan3A_85 to %scan3A_87 step %scan3A_88  : i32 {
      %mul3A_101 = arith.constant 16 : i32
      %mul3A_102 = arith.muli %scan3A_100, %mul3A_101 : i32
      %get3A = arith.index_cast %mul3A_102 : i32 to index
      %get3A_103 = tpu.vector_load %arg9[%get3A] {strides = array<i32>} : memref<16384xi32, #tpu.memory_space<vmem>>, vector<16xi32>,
      %mul3A_104 = arith.constant 16 : i32
      %mul3A_105 = arith.muli %scan3A_100, %mul3A_104 : i32
      %get3A_106 = arith.index_cast %mul3A_105 : i32 to index
      %get3A_107 = tpu.vector_load %arg10[%get3A_106] {strides = array<i32>} : memref<16384xi32, #tpu.memory_space<vmem>>, vector<16xi32>,
      %sub3A = vector.broadcast %mul3A_2 : i32 to vector<16xi32>
      %sub3A_108 = arith.subi %get3A_107, %sub3A : vector<16xi32>
      %ge3A = arith.constant 0 : i32
      %ge3A_109 = vector.broadcast %ge3A : i32 to vector<16xi32>
      %ge3A_110 = arith.cmpi sge, %sub3A_108, %ge3A_109 : vector<16xi32>
      %lt3A = arith.constant 32 : i32
      %lt3A_111 = vector.broadcast %lt3A : i32 to vector<16xi32>
      %lt3A_112 = arith.cmpi slt, %sub3A_108, %lt3A_111 : vector<16xi32>
      %and3A = arith.andi %ge3A_110, %lt3A_112 : vector<16xi1>
      %jit3A = arith.constant 0 : i32
      %broadcast_in_dim3A_113 = vector.broadcast %jit3A : i32 to vector<16xi32>
      %select_n3A = arith.select %and3A, %sub3A_108, %broadcast_in_dim3A_113 : vector<16xi1>, vector<16xi32>
      tpu.vector_store_idx %arg11[%select_n3A, %get3A_103], %broadcast_in_dim3A_5 masked %and3A {add = true} : memref<32x1024xf32, #tpu.memory_space<vmem>>[vector<16xi32>, vector<16xi32>], vector<16xf32>, vector<16xi1>
    }
    %scan3A_89 = arith.constant 1024 : i32
    %run_scoped3A_90 = arith.constant 2 : i32
    "tpu.region"() ({
      %run_scoped3A_100 = tpu.sem_alloc : memref<!tpu.dma_semaphore, #tpu.memory_space<semaphore_mem>>
      %dma_start3A_101 = arith.constant 0 : i32
      %dma_start3A_102 = tpu.memref_slice %arg6[%run_scoped3A_90, %mul3A_2, %dma_start3A_101] : memref<3x1024x1024xf32, #tpu.memory_space<hbm>> -> memref<1x32x1024xf32, #tpu.memory_space<hbm>>
      %dma_start3A_103 = tpu.memref_squeeze %dma_start3A_102 : memref<1x32x1024xf32, #tpu.memory_space<hbm>> -> memref<32x1024xf32, #tpu.memory_space<hbm>>
      %dma_start3A_104 = arith.constant 0 : i32
      %dma_start3A_105 = tpu.memref_slice %arg6[%run_scoped3A_90, %mul3A_2, %dma_start3A_104] : memref<3x1024x1024xf32, #tpu.memory_space<hbm>> -> memref<1x32x1024xf32, #tpu.memory_space<hbm>>
      %dma_start3A_106 = tpu.memref_squeeze %dma_start3A_105 : memref<1x32x1024xf32, #tpu.memory_space<hbm>> -> memref<32x1024xf32, #tpu.memory_space<hbm>>
      tpu.enqueue_dma source(%arg11 : memref<32x1024xf32, #tpu.memory_space<vmem>>) target(%dma_start3A_106 : memref<32x1024xf32, #tpu.memory_space<hbm>>) target_semaphore(%run_scoped3A_100 : memref<!tpu.dma_semaphore, #tpu.memory_space<semaphore_mem>>)
      %dma_wait3A_107 = arith.constant 0 : i32
      %dma_wait3A_108 = tpu.memref_slice %arg6[%run_scoped3A_90, %mul3A_2, %dma_wait3A_107] : memref<3x1024x1024xf32, #tpu.memory_space<hbm>> -> memref<1x32x1024xf32, #tpu.memory_space<hbm>>
      %dma_wait3A_109 = tpu.memref_squeeze %dma_wait3A_108 : memref<1x32x1024xf32, #tpu.memory_space<hbm>> -> memref<32x1024xf32, #tpu.memory_space<hbm>>
      %dma_wait3A_110 = arith.constant 0 : i32
      %dma_wait3A_111 = tpu.memref_slice %arg6[%run_scoped3A_90, %mul3A_2, %dma_wait3A_110] : memref<3x1024x1024xf32, #tpu.memory_space<hbm>> -> memref<1x32x1024xf32, #tpu.memory_space<hbm>>
      %dma_wait3A_112 = tpu.memref_squeeze %dma_wait3A_111 : memref<1x32x1024xf32, #tpu.memory_space<hbm>> -> memref<32x1024xf32, #tpu.memory_space<hbm>>
      tpu.wait_dma2 semaphore(%run_scoped3A_100 : memref<!tpu.dma_semaphore, #tpu.memory_space<semaphore_mem>>) src(%arg11 : memref<32x1024xf32, #tpu.memory_space<vmem>>) dst(%dma_wait3A_112 : memref<32x1024xf32, #tpu.memory_space<hbm>>)
      tpu.yield
    }) : () -> ()
    %dma_wait3A_91 = arith.constant 2 : i32
    %dma_wait3A_92 = arith.constant 0 : i32
    %dma_wait3A_93 = arith.constant 0 : i32
    %dma_wait3A_94 = tpu.memref_slice %arg2[%dma_wait3A_91, %dma_wait3A_92, %dma_wait3A_93] : memref<3x4000x128xf32, #tpu.memory_space<hbm>> -> memref<1x4000x128xf32, #tpu.memory_space<hbm>>
    %dma_wait3A_95 = tpu.memref_squeeze %dma_wait3A_94 : memref<1x4000x128xf32, #tpu.memory_space<hbm>> -> memref<4000x128xf32, #tpu.memory_space<hbm>>
    %dma_wait3A_96 = arith.constant 0 : i32
    %dma_wait3A_97 = arith.constant 0 : i32
    %dma_wait3A_98 = tpu.memref_slice %dma_wait3A_95[%dma_wait3A_96, %dma_wait3A_97] : memref<4000x128xf32, #tpu.memory_space<hbm>> -> memref<4000x128xf32, #tpu.memory_space<hbm>>
    tpu.wait_indirect_dma semaphore(%arg12 : memref<!tpu.dma_semaphore, #tpu.memory_space<semaphore_mem>>) src(%dma_wait3A_98 : memref<4000x128xf32, #tpu.memory_space<hbm>>) dst(%arg8 : memref<32x128xf32, #tpu.memory_space<vmem>>)
    %run_scoped3A_99 = arith.constant 2 : i32
    "tpu.region"() ({
      %run_scoped3A_100 = tpu.sem_alloc : memref<!tpu.dma_semaphore, #tpu.memory_space<semaphore_mem>>
      %dma_start3A_101 = arith.constant 0 : i32
      %dma_start3A_102 = tpu.memref_slice %arg5[%run_scoped3A_99, %mul3A_2, %dma_start3A_101] : memref<3x1024x128xf32, #tpu.memory_space<hbm>> -> memref<1x32x128xf32, #tpu.memory_space<hbm>>
      %dma_start3A_103 = tpu.memref_squeeze %dma_start3A_102 : memref<1x32x128xf32, #tpu.memory_space<hbm>> -> memref<32x128xf32, #tpu.memory_space<hbm>>
      %dma_start3A_104 = arith.constant 0 : i32
      %dma_start3A_105 = tpu.memref_slice %arg5[%run_scoped3A_99, %mul3A_2, %dma_start3A_104] : memref<3x1024x128xf32, #tpu.memory_space<hbm>> -> memref<1x32x128xf32, #tpu.memory_space<hbm>>
      %dma_start3A_106 = tpu.memref_squeeze %dma_start3A_105 : memref<1x32x128xf32, #tpu.memory_space<hbm>> -> memref<32x128xf32, #tpu.memory_space<hbm>>
      tpu.enqueue_dma source(%arg8 : memref<32x128xf32, #tpu.memory_space<vmem>>) target(%dma_start3A_106 : memref<32x128xf32, #tpu.memory_space<hbm>>) target_semaphore(%run_scoped3A_100 : memref<!tpu.dma_semaphore, #tpu.memory_space<semaphore_mem>>)
      %dma_wait3A_107 = arith.constant 0 : i32
      %dma_wait3A_108 = tpu.memref_slice %arg5[%run_scoped3A_99, %mul3A_2, %dma_wait3A_107] : memref<3x1024x128xf32, #tpu.memory_space<hbm>> -> memref<1x32x128xf32, #tpu.memory_space<hbm>>
      %dma_wait3A_109 = tpu.memref_squeeze %dma_wait3A_108 : memref<1x32x128xf32, #tpu.memory_space<hbm>> -> memref<32x128xf32, #tpu.memory_space<hbm>>
      %dma_wait3A_110 = arith.constant 0 : i32
      %dma_wait3A_111 = tpu.memref_slice %arg5[%run_scoped3A_99, %mul3A_2, %dma_wait3A_110] : memref<3x1024x128xf32, #tpu.memory_space<hbm>> -> memref<1x32x128xf32, #tpu.memory_space<hbm>>
      %dma_wait3A_112 = tpu.memref_squeeze %dma_wait3A_111 : memref<1x32x128xf32, #tpu.memory_space<hbm>> -> memref<32x128xf32, #tpu.memory_space<hbm>>
      tpu.wait_dma2 semaphore(%run_scoped3A_100 : memref<!tpu.dma_semaphore, #tpu.memory_space<semaphore_mem>>) src(%arg8 : memref<32x128xf32, #tpu.memory_space<vmem>>) dst(%dma_wait3A_112 : memref<32x128xf32, #tpu.memory_space<hbm>>)
      tpu.yield
    }) : () -> ()
    return
  }
}

</mosaic_0001>

<sc_bundles>
// kernel: _sc_call_noB.3.cloned.1.call-start
scs
__scs_entry_jumppad:
0x0: {  	(pc) =	sbr.rel $0x88, $3  }
0x1: {  	(tag) =	ssettag $0x0;
	lr =	simm.s32 $0x1  }
0x2: {  	[smem:$0x3F9E] =	sst lr;
	_ =	strace $0xD0000000  }
0x3: {  	_ = 	snop  }
0x4: {  	_ = 	snop  }
0x5: {  	_ = 	snop  }
0x6: {  	_ = 	snop  }
0x7: {  	_ = 	snop  }
__scs_overlays_trampoline_lowered:
0x8: {  	[smem:$0x3FAD] =	sst s0  }
0x9: {  	[smem:$0x3FAE] =	sst s1  }
0xa: {  	[smem:$0x3FAF] =	sst s2  }
0xb: {  	[smem:$0x3FB0] =	sst s3  }
0xc: {  	[smem:$0x3FB1] =	sst s4  }
0xd: {  	[smem:$0x3FB2] =	sst s5  }
0xe: {  	[smem:$0x3FB3] =	sst s6  }
0xf: {  	[smem:$0x3FB4] =	sst s7  }
0x10: {  	[smem:$0x3FB5] =	sst s8  }
0x11: {  	[smem:$0x3FB6] =	sst s9;
	s0 =	simm.s32 @!p0 $0x0  }
0x12: {  	s1 =	sld [smem:$0x3F9C];
	s0 =	simm.s32 @p0 $0x1  }
0x13: {  	[smem:$0x3FB7] =	sst s0;
	s0 =	simm.s32 @!p1 $0x0  }
0x14: {  	s2 =	sld [smem:$0x3F9B];
	s0 =	simm.s32 @p1 $0x1  }
0x15: {  	[smem:$0x3FB8] =	sst s0;
	s0 =	simm.s32 @!p2 $0x0  }
0x16: {  	s3 =	sld [smem:$0x3FDB];
	s0 =	simm.s32 @p2 $0x1  }
0x17: {  	s4 =	simm.s32 $0x1BF5;
	[smem:$0x3FBA] =	sst s0  }
0x18: {  	s0 =	sld [smem:$0x3F9D];
	_ =	swait.ge [sflag:s4], $0x0  }
0x19: {  	s7 =	sld [smem:$0x3F9E]  }
0x1a: {  	s8 =	sadd.s32 $0xFFFFE003, lr  }
0x1b: {  	s9 =	sadd.s32 $0xFFFFFEF7, lr;
	s5 =	simm.s32 $0xFFFFFFFF;
	p2 =	slt.u32 s8, $0xFFFFF086  }
0x1c: {  	p1 =	slt.u32 s9, $0xF7A;
	s5 =	simm.s32 @!p2 $0x0  }
0x1d: {  	s5 =	simm.s32 @p1 $0x1;
	p0 =	seq.s32 s7, s2  }
0x1e: {  	s7 =	smul.u32 @!p0 $0xF7A, s2;
	p2 =	seq.s32 @!p0 s5, $0x0  }
0x1f: {  	s9 =	smul.u32 $0xF7A, s1;
	s8 =	simm.s32 @!p0 $0x1BF5;
	p2 =	por !p2, p0  }
0x20: {  	[sflag:s8] =	ssyncset.s32 @!p0 $0xFFFFF086;
	s6 =	sadd.s32 @!p0 s3, s7;
	s7 =	simm.s32 @!p0 $0x108  }
0x21: {  	s3 =	sadd.s32 s3, s9;
	s6 =	sadd.s32 @!p0 $0x88, s6;
	s7 =	simm.s32 @p2 $0x1082  }
0x22: {  	[simem:s7], [sflag:s8] =	dma.local @!p0 [hbm:s6], $0xF7A  }
0x23: {  	s9 =	sor.u32 $0xD0000000, s2;
	s6 =	simm.s32 $0x108;
	_ =	swait.ge @!p0 [sflag:s8], $0x0  }
0x24: {  	s3 =	sadd.s32 $0x88, s3;
	s6 =	simm.s32 @!p1 $0x1082;
	[sflag:s4] =	ssyncset.s32 $0xFFFFF086  }
0x25: {  	[simem:s6], [sflag:s4] =	dma.local [hbm:s3], $0xF7A  }
0x26: {  	[smem:$0x3F9E] =	sst s1;
	(tag) =	ssettag s2;
	_ =	strace s9  }
0x27: {  	s1 =	sld [smem:$0x3FAE]  }
0x28: {  	s2 =	sld [smem:$0x3FAF]  }
0x29: {  	s4 =	sld [smem:$0x3FB1]  }
0x2a: {  	p0 =	seq.s32 s5, $0x0;
	s5 =	sld [smem:$0x3FB2]  }
0x2b: {  	s6 =	sld [smem:$0x3FB3]  }
0x2c: {  	s7 =	sld [smem:$0x3FB4]  }
0x2d: {  	s3 =	simm.s32 $0x108;
	s8 =	sld [smem:$0x3FB5]  }
0x2e: {  	s3 =	simm.s32 @!p0 $0x1082;
	s9 =	sld [smem:$0x3FB6]  }
0x2f: {  	lr =	sadd.s32 s0, s3;
	s0 =	sld [smem:$0x3FAD]  }
0x30: {  	s3 =	sld [smem:$0x3FB0]  }
0x31: {  	[smem:$0x3FB9] =	sst s10  }
0x32: {  	s10 =	sld [smem:$0x3FB7];
	_ =	sdelay $0x3  }
0x33: {  	p0 =	seq.s32 s10, $0x1;
	s10 =	sld [smem:$0x3FB9];
	_ =	sdelay $0x3  }
0x34: {  	[smem:$0x3FB9] =	sst s10  }
0x35: {  	s10 =	sld [smem:$0x3FB8];
	_ =	sdelay $0x3  }
0x36: {  	p1 =	seq.s32 s10, $0x1;
	s10 =	sld [smem:$0x3FB9];
	_ =	sdelay $0x3  }
0x37: {  	[smem:$0x3FB9] =	sst s10  }
0x38: {  	s10 =	sld [smem:$0x3FBA]  }
0x39: {  	_ = 	snop;
	(pc) =	sbr.ind lr, $3  }
0x3a: {  	_ = 	snop  }
0x3b: {  	_ = 	snop  }
0x3c: {  	p2 =	seq.s32 s10, $0x1;
	s10 =	sld [smem:$0x3FB9]  }
0x3d: {  	_ =	shalt  }
0x3e: {  	_ =	shalt  }
0x3f: {  	_ =	shalt  }
0x40: {  	_ =	shalt  }
0x41: {  	_ =	shalt  }
0x42: {  	_ =	shalt  }
0x43: {  	_ =	shalt  }
0x44: {  	_ =	shalt  }
0x45: {  	_ =	shalt  }
0x46: {  	_ =	shalt  }
0x47: {  	_ =	shalt  }
0x48: {  	_ =	shalt  }
0x49: {  	_ =	shalt  }
0x4a: {  	_ =	shalt  }
0x4b: {  	_ =	shalt  }
0x4c: {  	_ =	shalt  }
0x4d: {  	_ =	shalt  }
0x4e: {  	_ =	shalt  }
0x4f: {  	_ =	shalt  }
0x50: {  	_ =	shalt  }
0x51: {  	_ =	shalt  }
0x52: {  	_ =	shalt  }
0x53: {  	_ =	shalt  }
0x54: {  	_ =	shalt  }
0x55: {  	_ =	shalt  }
0x56: {  	_ =	shalt  }
0x57: {  	_ =	shalt  }
0x58: {  	_ =	shalt  }
0x59: {  	_ =	shalt  }
0x5a: {  	_ =	shalt  }
0x5b: {  	_ =	shalt  }
0x5c: {  	_ =	shalt  }
0x5d: {  	_ =	shalt  }
0x5e: {  	_ =	shalt  }
0x5f: {  	_ =	shalt  }
0x60: {  	_ =	shalt  }
0x61: {  	_ =	shalt  }
0x62: {  	_ =	shalt  }
0x63: {  	_ =	shalt  }
0x64: {  	_ =	shalt  }
0x65: {  	_ =	shalt  }
0x66: {  	_ =	shalt  }
0x67: {  	_ =	shalt  }
0x68: {  	_ =	shalt  }
0x69: {  	_ =	shalt  }
0x6a: {  	_ =	shalt  }
0x6b: {  	_ =	shalt  }
0x6c: {  	_ =	shalt  }
0x6d: {  	_ =	shalt  }
0x6e: {  	_ =	shalt  }
0x6f: {  	_ =	shalt  }
0x70: {  	_ =	shalt  }
0x71: {  	_ =	shalt  }
0x72: {  	_ =	shalt  }
0x73: {  	_ =	shalt  }
0x74: {  	_ =	shalt  }
0x75: {  	_ =	shalt  }
0x76: {  	_ =	shalt  }
0x77: {  	_ =	shalt  }
0x78: {  	_ =	shalt  }
0x79: {  	_ =	shalt  }
0x7a: {  	_ =	shalt  }
0x7b: {  	_ =	shalt  }
0x7c: {  	_ =	shalt  }
0x7d: {  	_ =	shalt  }
0x7e: {  	_ =	shalt  }
0x7f: {  	_ =	shalt  }
0x80: {  	_ =	shalt  }
0x81: {  	_ =	shalt  }
0x82: {  	_ =	shalt  }
0x83: {  	_ =	shalt  }
0x84: {  	_ =	shalt  }
0x85: {  	_ =	shalt  }
0x86: {  	_ =	shalt  }
0x87: {  	_ =	shalt  }
.Lfunc_end0:
.L_simem_size_0:
called_computation_lowered:
.L_overlay_start_0:
0x88: {  	s2 =	sld [smem:$0x3FD9]  }
0x89: {  	s3 =	sld [smem:$0x3FFE];
	_ =	sdelay $0x1  }
0x8a: {  	s1 =	srdreg.scid  }
0x8b: {  	s0 =	sand.u32 $0x1, s1  }
0x8c: {  	s14 =	sshll.u32 s0, $0xA;
	s2 =	sadd.s32 s3, s2  }
0x8d: {  	s2 =	sadd.s32 s2, s14  }
0x8e: {  	[smem:$0x3FC5] =	sst s2  }
0x8f: {  	_ = 	snop  }
0x90: {  	s2 =	sld [smem:$0x3FD0];
	_ =	sdelay $0x2  }
0x91: {  	s4 =	simm.s32 $0xA;
	s5 =	simm.s32 $0x10;
	s15 =	sld [smem:$0x3FC9]  }
0x92: {  	[smem:s5], [sflag:s4] =	dma.local [hbm:s2], $0x1  }
0x93: {  	_ =	swait.eq [sflag:s4], $0x1  }
0x94: {  	[sflag:s4] =	ssyncset.done $0x0  }
0x95: {  	s16 =	sld [smem:$0x10];
	[sflag:s4] =	ssyncadd.s32 $0xFFFFFFFF  }
0x96: {  	s17 =	sld [smem:$0x11];
	(tm) =	ssettm $0x1  }
0x97: {  	s18 =	sld [smem:$0x3FFB];
	_ =	sdelay $0x3  }
0x98: {  	_ =	strace s18  }
0x99: {  	s5 =	sld [smem:$0x3FFC];
	_ =	sdelay $0x3  }
0x9a: {  	_ =	strace s5  }
0x9b: {  	s5 =	sld [smem:$0x3FFD];
	_ =	sdelay $0x3  }
0x9c: {  	_ =	strace s5  }
0x9d: {  	_ =	strace $0x8FFFFFFF  }
0x9e: {  	s19 =	sld [smem:$0x3FDB];
	_ =	sdelay $0x1  }
0x9f: {  	s6 =	simm.s32 $_scs_section_size  }
0xa0: {  	s7 =	simm.s32 $_size__tile_overlayer_lowered;
	s8 =	simm.s32 $_tile_overlayer_lowered  }
0xa1: {  	s22 =	simm.s32 $0x1BFF;
	s21 =	sshll.u32 s8, $0x1;
	s5 =	sadd.s32 s6, s19  }
0xa2: {  	s9 =	simm.s32 $0x0;
	s20 =	sshll.u32 s7, $0x1;
	s7 =	sadd.s32 s21, s5  }
0xa3: {  	[timem:s9], [sflag:s22] =	dma.local [hbm:s7], s20  }
0xa4: {  	_ =	swait.ge [sflag:s22], s20  }
0xa5: {  	s6 =	ssub.s32 $0x0, s20;
	[sflag:s22] =	ssyncset.done $0x0  }
0xa6: {  	[sflag:s22] =	ssyncadd.s32 s6;
	_ =	sdelay $0x1  }
0xa7: {  	s23 =	simm.s32 $0x1B8B  }
0xa8: {  	_ =	swait.ge [sflag:s23], $0x1  }
0xa9: {  	[sflag:s23] =	ssyncset.done $0x0  }
0xaa: {  	s25 =	simm.s32 $0x1B8E;
	s24 =	sld [smem:$0x3FFE];
	[sflag:s23] =	ssyncadd.s32 $0xFFFFFFFF  }
0xab: {  	s26 =	simm.s32 $execute0_lowered;
	[smem:$0x3FD2] =	sst s25  }
0xac: {  	s7 =	sshll.u32 s26, $0x1;
	_ =	strace $0x80000046;
	[dreg:$0x1] =	wrdreg $0xFFFFFFFF  }
0xad: {  	s28 =	simm.s32 $_size_execute0_lowered;
	s5 =	sadd.s32 s5, s7;
	[dreg:$0x0] =	wrdreg $0x0  }
0xae: {  	s7 =	sshll.u32 s28, $0x1;
	[dreg:$0x2] =	wrdreg s5  }
0xaf: {  	[dreg:$0x3] =	wrdreg s7  }
0xb0: {  	[dreg:$0x4] =	wrdreg $0xC0  }
0xb1: {  	_ =	task [dreg:s9], $0x5FFFF  }
0xb2: {  	[dreg:$0x1] =	wrdreg $0xFFFFFFFF  }
0xb3: {  	[dreg:$0x0] =	wrdreg $0x60  }
0xb4: {  	[dreg:$0x2] =	wrdreg s15  }
0xb5: {  	[dreg:$0x3] =	wrdreg s24  }
0xb6: {  	[dreg:$0x4] =	wrdreg s16  }
0xb7: {  	[dreg:$0x5] =	wrdreg s17  }
0xb8: {  	[dreg:$0x6] =	wrdreg $0x9  }
0xb9: {  	_ =	task.clear_ibuf [dreg:s9], $0x7FFFF;
	_ =	strace $0x90000046  }
0xba: {  	s29 =	simm.s32 $0x9;
	_ =	strace $0x80000048  }
0xbb: {  	_ =	swait.ge [sflag:s29], $0x1  }
0xbc: {  	[sflag:s29] =	ssyncadd.s32 $0xFFFFFFFF  }
0xbd: {  	_ =	strace $0x90000048  }
0xbe: {  	_ =	sfence  }
0xbf: {  	s30 =	sld [smem:$0x0];
	_ =	sdelay $0x2  }
0xc0: {  	s31 =	sshll.u32 s1, $0xD;
	s1 =	sshrl.u32 s1, $0x2  }
0xc1: {  	s3 =	sand.u32 $0x4000, s31;
	s1 =	sadd.s32 s1, s30  }
0xc2: {  	s0 =	sor.u32 s3, s0;
	s1 =	sshll.u32 s1, $0x11  }
0xc3: {  	s0 =	sor.u32 s1, s0  }
0xc4: {  	s0 =	sadd.s32 $0x8F2B, s0  }
0xc5: {  	[sflag:s0] =	ssyncadd.remote.s32 $0x1  }
0xc6: {  	_ =	sfence.sel $0xFFFF  }
0xc7: {  	[dreg:$0x0] =	wrdreg $0xFFFFFFFF;
	(pc) =	sbr.abs _section_cstart, $3  }
0xc8: {  	[dreg:$0x1] =	wrdreg $0xFFFFFFFF  }
0xc9: {  	_ =	task.clear_ibuf [dreg:s9], $0x2FFFF;
	_ =	strace $0x9FFFFFFF  }
0xca: {  	(tm) =	ssettm $0x7FFFFFFF  }
0xcb: {  	_ =	shalt  }
tec
execute0_lowered:
.L_overlay_start_1:
0x0: {  	(tag) =	ssettag $0x1  }
0x1: {  	s1 =	rddreg [dreg:$0x0]  }
0x2: {  	s0 =	rddreg [dreg:$0x1]  }
0x3: {  	s2 =	rddreg [dreg:$0x2]  }
0x4: {  	s7 =	rddreg [dreg:$0x3]  }
0x5: {  	s3 =	srdreg.scid;
	s5 =	stileid.u32  }
0x6: {  	s22 =	simm.s32 $0x2;
	s29 =	simm.s32 $0x1;
	s30 =	simm.s32 $0x0  }
0x7: {  	s4 =	sand.u32 $0x1, s3;
	s3 =	simm.s32 $0x0;
	s5 =	sshll.u32 s5, $0x6  }
0x8: {  	s26 =	sadd.s32 $0x800, s0;
	s10 =	sadd.s32 $0xFA00, s1;
	s11 =	sadd.s32 $0x1800, s0  }
0x9: {  	s12 =	sadd.s32 $0x2000, s0;
	s16 =	sadd.s32 $0x1F400, s1;
	s17 =	sadd.s32 $0x2800, s0  }
0xa: {  	s18 =	sadd.s32 $0x3000, s0;
	s6 =	sshll.u32 s4, $0x5;
	[smem:$0x7FF] =	sst s3  }
0xb: {  	s23 =	ssub.s32 $0x2, s4;
	s28 =	sor.u32 s6, s5;
	_ =	strace $0x80000047  }
0xc: {  	s25 =	sshrl.u32 s23, $0x1;
	[dreg:$0x5] =	wrdreg s26;
	s6 =	sadd.s32 $0x1000, s0  }
0xd: {  	s26 =	simm.s32 $0x5080;
	s24 =	sshrl.u32 s28, $0x3;
	s21 =	ssub.s32 s23, s25  }
0xe: {  	s8 =	sshll.u32 s28, $0x7;
	s9 =	sshll.u32 s28, $0x4;
	s23 =	simm.s32 $0x20  }
0xf: {  	s25 =	simm.s32 $0x1080;
	v0 =	vmov s28;
	s28 =	simm.s32 $0x9080;
	s15 =	sadd.s32 s24, s0  }
0x10: {  	s7 =	sadd.s32 s7, s8;
	s8 =	sadd.s32 s2, s9;
	s21 =	smax.u32 s21, $0x1  }
0x11: {  	s24 =	simm.s32 $0x80;
	s31 =	sadd.s32 $0x600, s15;
	s9 =	sadd.s32 $0x680, s15  }
0x12: {  	s13 =	sadd.s32 $0x20000, s7;
	s14 =	sadd.s32 $0x4000, s8;
	s15 =	sadd.s32 $0x700, s15  }
0x13: {  	v1 =	vimm.f32 $0.0e+00;
	v2 =	vimm.f32 $1.000000000e+00;
	s19 =	sadd.s32 $0x40000, s7;
	s20 =	sadd.s32 $0x8000, s8;
	[dreg:$0x6] =	wrdreg s31  }
.LBB2_1:
0x14: {  	s0 =	rddreg [dreg:$0x6]  }
0x15: {  	[tilespmem:s3], [sflag:$0x2] =	stream.linear.gather [hbm4b:s0+s3], $0x20, $0x38;
	[tilespmem:$0x11080] =	vst v63  }
0x16: {  	_ =	swait.ge [sflag:s22], $0x20  }
0x17: {  	[sflag:s22] =	ssyncset.done $0x0  }
0x18: {  	[sflag:s22] =	ssyncadd.s32 $0xFFFFFFE0  }
0x19: {  	s2 =	rddreg [dreg:$0x0]  }
0x1a: {  	[tilespmem:s24], [sflag:$0x1] =	stream.indirect.gather [hbm4b:s2+s23], $0x80, s3, s23, $0xb8;
	[tilespmem:$0x11080] =	vst v63  }
0x1b: {  	s4 =	rddreg [dreg:$0x5]  }
0x1c: {  	[tilespmem:s25], [sflag:$0x2] =	stream.linear.gather [hbm4b:s4+s3], $0x4000, $0x38;
	[tilespmem:$0x11080] =	vst v63  }
0x1d: {  	_ =	swait.ge [sflag:s22], $0x4000  }
0x1e: {  	[sflag:s22] =	ssyncset.done $0x0  }
0x1f: {  	s5 =	simm.s32 $0x0;
	s31 =	simm.s32 $0x0;
	[sflag:s22] =	ssyncadd.s32 $0xFFFFC000  }
0x20: {  	[tilespmem:s26], [sflag:$0x2] =	stream.linear.gather [hbm4b:s6+s3], $0x4000, $0x38;
	[tilespmem:$0x11080] =	vst v63  }
0x21: {  	s0 =	sand.u32 $0x6000, s5;
	s2 =	sand.u32 $0x1C00, s3;
	_ =	swait.ge [sflag:s22], $0x4000  }
0x22: {  	s31 =	sand.u32 $0x380, s31;
	s0 =	sor.u32 s2, s0;
	[sflag:s22] =	ssyncset.done $0x0  }
0x23: {  	s31 =	sor.u32 s31, s0;
	[sflag:s22] =	ssyncadd.s32 $0xFFFFC000  }
0x24: {  	[tilespmem:s31+$0x90F0] =	vst v1  }
0x25: {  	[tilespmem:s31+$0x9080] =	vst v1  }
0x26: {  	s2 =	simm.s32 $0x0;
	s0 =	simm.s32 $0x0;
	[tilespmem:s31+$0x9090] =	vst v1  }
.LBB2_2:
0x27: {  	s0 =	sadd.s32 $0x8, s0;
	[tilespmem:s31+$0x90A0] =	vst v1  }
0x28: {  	s2 =	sadd.s32 $0x400, s2;
	s1 =	sshll.u32 s0, $0x4;
	p0 =	slt.u32 s0, $0x7F8;
	[tilespmem:s31+$0x90B0] =	vst v1  }
0x29: {  	s4 =	sand.u32 $0x1C00, s2;
	s5 =	sshll.u32 s0, $0x1;
	s1 =	sand.u32 $0x6000, s1;
	[tilespmem:s31+$0x90C0] =	vst v1  }
.Ltmp0:
0x2a: {  	s5 =	sand.u32 $0x380, s5;
	s1 =	sor.u32 s4, s1;
	[tilespmem:s31+$0x90D0] =	vst v1;
	(pc) =	sbr.rel @p0 .LBB2_2-.Ltmp0, $4  }
0x2b: {  	[tilespmem:s31+$0x90E0] =	vst v1;
	s31 =	sor.u32 s5, s1  }
0x2c: {  	[tilespmem:s31+$0x90F0] =	vst v1  }
0x2d: {  	[tilespmem:s31+$0x9080] =	vst v1  }
0x2e: {  	[tilespmem:s31+$0x9090] =	vst v1  }
0x2f: {  	[tilespmem:s31+$0x90A0] =	vst v1  }
0x30: {  	[tilespmem:s31+$0x90B0] =	vst v1  }
0x31: {  	[tilespmem:s31+$0x90C0] =	vst v1  }
0x32: {  	[tilespmem:s31+$0x90D0] =	vst v1  }
0x33: {  	[tilespmem:s31+$0x90E0] =	vst v1;
	s0 =	simm.s32 $0x0;
	s31 =	simm.s32 $0x40  }
.LBB2_4:
0x34: {  	p0 =	sne.s32 s31, $0xFFC0;
	v3 =	vld [tilespmem:s0+$0x5080];
	_ =	sdelay $0x2  }
0x35: {  	v4 =	vld [tilespmem:s0+$0x1080];
	_ =	sdelay $0x1  }
0x36: {  	v3 =	vsub.s32 v3, v0  }
0x37: {  	vm0 =	vlt.u32 v3, $0x20  }
0x38: {  	v3 =	vnsel vm0, $0x0, v3  }
0x39: {  	v5 =	vshll.u32 v3, $0xA;
	v6 =	vshll.u32 v4, $0x3  }
0x3a: {  	v3 =	vshll.u32 v3, $0x7;
	v5 =	vand.u32 $0xFFFFE000, v5;
	v6 =	vand.u32 $0xFFFFFC00, v6  }
0x3b: {  	v3 =	vand.u32 $0x380, v3;
	v5 =	vadd.s32 v6, v5  }
0x3c: {  	v4 =	vand.u32 $0x7F, v4;
	v3 =	vor.u32 v3, v5  }
0x3d: {  	v3 =	vor.u32 v4, v3  }
.Ltmp1:
0x3e: {  	(pc) =	sbr.rel @p0 .LBB2_4-.Ltmp1, $2  }
0x3f: {  	_ =	sdelay $0x2  }
0x40: {  	s0 =	sshra.s32 s31, $0x2;
	s31 =	sadd.s32 $0x40, s31;
	[tilespmem:v3+s28+$0x0] =	vst.idx.add.f32.msk vm0, v2  }
0x41: {  	v3 =	vld [tilespmem:s0+$0x5080];
	_ =	sdelay $0x2  }
0x42: {  	v4 =	vld [tilespmem:s0+$0x1080];
	_ =	sdelay $0x1  }
0x43: {  	v3 =	vsub.s32 v3, v0  }
0x44: {  	vm0 =	vlt.u32 v3, $0x20  }
0x45: {  	v3 =	vnsel vm0, $0x0, v3  }
0x46: {  	v6 =	vshll.u32 v4, $0x3;
	v5 =	vshll.u32 v3, $0xA  }
0x47: {  	v6 =	vand.u32 $0xFFFFFC00, v6;
	v3 =	vshll.u32 v3, $0x7;
	v5 =	vand.u32 $0xFFFFE000, v5  }
0x48: {  	v3 =	vand.u32 $0x380, v3;
	v5 =	vadd.s32 v6, v5  }
0x49: {  	v4 =	vand.u32 $0x7F, v4;
	v3 =	vor.u32 v3, v5  }
0x4a: {  	v3 =	vor.u32 v4, v3;
	_ =	sdelay $0x4  }
0x4b: {  	s31 =	simm.s32 $0x0;
	[tilespmem:v3+s28+$0x0] =	vst.idx.add.f32.msk vm0, v2  }
0x4c: {  	[hbm4b:s7+s31] =	stream.linear.scatter [tilespmem:s28], [sflag:$0x2], $0x8000, $0x38;
	[tilespmem:$0x11080] =	vst v63  }
0x4d: {  	_ =	swait.ge [sflag:s22], $0x8000  }
0x4e: {  	[sflag:s22] =	ssyncset.done $0x0  }
0x4f: {  	[sflag:s22] =	ssyncadd.s32 $0xFFFF8000  }
0x50: {  	_ =	swait.ge [sflag:s29], $0x1000  }
0x51: {  	[sflag:s29] =	ssyncset.done $0x0  }
0x52: {  	[sflag:s29] =	ssyncadd.s32 $0xFFFFF000  }
0x53: {  	[hbm4b:s8+s31] =	stream.linear.scatter [tilespmem:s24], [sflag:$0x2], $0x1000, $0x38;
	[tilespmem:$0x11080] =	vst v63  }
0x54: {  	_ =	swait.ge [sflag:s22], $0x1000  }
0x55: {  	[sflag:s22] =	ssyncset.done $0x0  }
0x56: {  	[sflag:s22] =	ssyncadd.s32 $0xFFFFF000  }
0x57: {  	[tilespmem:s31], [sflag:$0x2] =	stream.linear.gather [hbm4b:s9+s31], $0x20, $0x38;
	[tilespmem:$0x11080] =	vst v63  }
0x58: {  	_ =	swait.ge [sflag:s22], $0x20  }
0x59: {  	[sflag:s22] =	ssyncset.done $0x0  }
0x5a: {  	[sflag:s22] =	ssyncadd.s32 $0xFFFFFFE0  }
0x5b: {  	[tilespmem:s24], [sflag:$0x1] =	stream.indirect.gather [hbm4b:s10+s23], $0x80, s31, s23, $0xb8;
	[tilespmem:$0x11080] =	vst v63  }
0x5c: {  	_ = 	snop  }
0x5d: {  	[tilespmem:s25], [sflag:$0x2] =	stream.linear.gather [hbm4b:s11+s31], $0x4000, $0x38;
	[tilespmem:$0x11080] =	vst v63  }
0x5e: {  	_ =	swait.ge [sflag:s22], $0x4000  }
0x5f: {  	[sflag:s22] =	ssyncset.done $0x0  }
0x60: {  	s5 =	simm.s32 $0x0;
	s2 =	simm.s32 $0x0;
	[sflag:s22] =	ssyncadd.s32 $0xFFFFC000  }
0x61: {  	[tilespmem:s26], [sflag:$0x2] =	stream.linear.gather [hbm4b:s12+s31], $0x4000, $0x38;
	[tilespmem:$0x11080] =	vst v63  }
0x62: {  	s0 =	sand.u32 $0x6000, s5;
	s1 =	sand.u32 $0x1C00, s31;
	_ =	swait.ge [sflag:s22], $0x4000  }
0x63: {  	s2 =	sand.u32 $0x380, s2;
	s0 =	sor.u32 s1, s0;
	[sflag:s22] =	ssyncset.done $0x0  }
0x64: {  	s0 =	sor.u32 s2, s0;
	[sflag:s22] =	ssyncadd.s32 $0xFFFFC000  }
0x65: {  	[tilespmem:s0+$0x90F0] =	vst v1  }
0x66: {  	[tilespmem:s0+$0x9080] =	vst v1  }
0x67: {  	s2 =	simm.s32 $0x0;
	[tilespmem:s0+$0x9090] =	vst v1  }
.LBB2_6:
0x68: {  	s2 =	sadd.s32 $0x8, s2;
	[tilespmem:s0+$0x90A0] =	vst v1  }
0x69: {  	s31 =	sadd.s32 $0x400, s31;
	s1 =	sshll.u32 s2, $0x4;
	p0 =	slt.u32 s2, $0x7F8;
	[tilespmem:s0+$0x90B0] =	vst v1  }
0x6a: {  	s4 =	sand.u32 $0x1C00, s31;
	s5 =	sshll.u32 s2, $0x1;
	s1 =	sand.u32 $0x6000, s1;
	[tilespmem:s0+$0x90C0] =	vst v1  }
.Ltmp2:
0x6b: {  	s5 =	sand.u32 $0x380, s5;
	s1 =	sor.u32 s4, s1;
	[tilespmem:s0+$0x90D0] =	vst v1;
	(pc) =	sbr.rel @p0 .LBB2_6-.Ltmp2, $4  }
0x6c: {  	[tilespmem:s0+$0x90E0] =	vst v1;
	s0 =	sor.u32 s5, s1  }
0x6d: {  	[tilespmem:s0+$0x90F0] =	vst v1  }
0x6e: {  	[tilespmem:s0+$0x9080] =	vst v1  }
0x6f: {  	[tilespmem:s0+$0x9090] =	vst v1  }
0x70: {  	[tilespmem:s0+$0x90A0] =	vst v1  }
0x71: {  	[tilespmem:s0+$0x90B0] =	vst v1  }
0x72: {  	[tilespmem:s0+$0x90C0] =	vst v1  }
0x73: {  	[tilespmem:s0+$0x90D0] =	vst v1  }
0x74: {  	[tilespmem:s0+$0x90E0] =	vst v1;
	s0 =	simm.s32 $0x0;
	s31 =	simm.s32 $0x40  }
.LBB2_8:
0x75: {  	p0 =	sne.s32 s31, $0xFFC0;
	v3 =	vld [tilespmem:s0+$0x5080];
	_ =	sdelay $0x2  }
0x76: {  	v4 =	vld [tilespmem:s0+$0x1080];
	_ =	sdelay $0x1  }
0x77: {  	v3 =	vsub.s32 v3, v0  }
0x78: {  	vm0 =	vlt.u32 v3, $0x20  }
0x79: {  	v3 =	vnsel vm0, $0x0, v3  }
0x7a: {  	v5 =	vshll.u32 v3, $0xA;
	v6 =	vshll.u32 v4, $0x3  }
0x7b: {  	v3 =	vshll.u32 v3, $0x7;
	v5 =	vand.u32 $0xFFFFE000, v5;
	v6 =	vand.u32 $0xFFFFFC00, v6  }
0x7c: {  	v3 =	vand.u32 $0x380, v3;
	v5 =	vadd.s32 v6, v5  }
0x7d: {  	v4 =	vand.u32 $0x7F, v4;
	v3 =	vor.u32 v3, v5  }
0x7e: {  	v3 =	vor.u32 v4, v3  }
.Ltmp3:
0x7f: {  	(pc) =	sbr.rel @p0 .LBB2_8-.Ltmp3, $2  }
0x80: {  	_ =	sdelay $0x2  }
0x81: {  	s0 =	sshra.s32 s31, $0x2;
	s31 =	sadd.s32 $0x40, s31;
	[tilespmem:v3+s28+$0x0] =	vst.idx.add.f32.msk vm0, v2  }
0x82: {  	v3 =	vld [tilespmem:s0+$0x5080];
	_ =	sdelay $0x2  }
0x83: {  	v4 =	vld [tilespmem:s0+$0x1080];
	_ =	sdelay $0x1  }
0x84: {  	v3 =	vsub.s32 v3, v0  }
0x85: {  	vm0 =	vlt.u32 v3, $0x20  }
0x86: {  	v3 =	vnsel vm0, $0x0, v3  }
0x87: {  	v6 =	vshll.u32 v4, $0x3;
	v5 =	vshll.u32 v3, $0xA  }
0x88: {  	v6 =	vand.u32 $0xFFFFFC00, v6;
	v3 =	vshll.u32 v3, $0x7;
	v5 =	vand.u32 $0xFFFFE000, v5  }
0x89: {  	v3 =	vand.u32 $0x380, v3;
	v5 =	vadd.s32 v6, v5  }
0x8a: {  	v4 =	vand.u32 $0x7F, v4;
	v3 =	vor.u32 v3, v5  }
0x8b: {  	v3 =	vor.u32 v4, v3;
	_ =	sdelay $0x4  }
0x8c: {  	s31 =	simm.s32 $0x0;
	[tilespmem:v3+s28+$0x0] =	vst.idx.add.f32.msk vm0, v2  }
0x8d: {  	[hbm4b:s13+s31] =	stream.linear.scatter [tilespmem:s28], [sflag:$0x2], $0x8000, $0x38;
	[tilespmem:$0x11080] =	vst v63  }
0x8e: {  	_ =	swait.ge [sflag:s22], $0x8000  }
0x8f: {  	[sflag:s22] =	ssyncset.done $0x0  }
0x90: {  	[sflag:s22] =	ssyncadd.s32 $0xFFFF8000  }
0x91: {  	_ =	swait.ge [sflag:s29], $0x1000  }
0x92: {  	[sflag:s29] =	ssyncset.done $0x0  }
0x93: {  	[sflag:s29] =	ssyncadd.s32 $0xFFFFF000  }
0x94: {  	[hbm4b:s14+s31] =	stream.linear.scatter [tilespmem:s24], [sflag:$0x2], $0x1000, $0x38;
	[tilespmem:$0x11080] =	vst v63  }
0x95: {  	_ =	swait.ge [sflag:s22], $0x1000  }
0x96: {  	[sflag:s22] =	ssyncset.done $0x0  }
0x97: {  	[sflag:s22] =	ssyncadd.s32 $0xFFFFF000  }
0x98: {  	[tilespmem:s31], [sflag:$0x2] =	stream.linear.gather [hbm4b:s15+s31], $0x20, $0x38;
	[tilespmem:$0x11080] =	vst v63  }
0x99: {  	_ =	swait.ge [sflag:s22], $0x20  }
0x9a: {  	[sflag:s22] =	ssyncset.done $0x0  }
0x9b: {  	[sflag:s22] =	ssyncadd.s32 $0xFFFFFFE0  }
0x9c: {  	[tilespmem:s24], [sflag:$0x1] =	stream.indirect.gather [hbm4b:s16+s23], $0x80, s31, s23, $0xb8;
	[tilespmem:$0x11080] =	vst v63  }
0x9d: {  	_ = 	snop  }
0x9e: {  	[tilespmem:s25], [sflag:$0x2] =	stream.linear.gather [hbm4b:s17+s31], $0x4000, $0x38;
	[tilespmem:$0x11080] =	vst v63  }
0x9f: {  	_ =	swait.ge [sflag:s22], $0x4000  }
0xa0: {  	[sflag:s22] =	ssyncset.done $0x0  }
0xa1: {  	s5 =	simm.s32 $0x0;
	s2 =	simm.s32 $0x0;
	[sflag:s22] =	ssyncadd.s32 $0xFFFFC000  }
0xa2: {  	[tilespmem:s26], [sflag:$0x2] =	stream.linear.gather [hbm4b:s18+s31], $0x4000, $0x38;
	[tilespmem:$0x11080] =	vst v63  }
0xa3: {  	s0 =	sand.u32 $0x6000, s5;
	s1 =	sand.u32 $0x1C00, s31;
	_ =	swait.ge [sflag:s22], $0x4000  }
0xa4: {  	s2 =	sand.u32 $0x380, s2;
	s0 =	sor.u32 s1, s0;
	[sflag:s22] =	ssyncset.done $0x0  }
0xa5: {  	s0 =	sor.u32 s2, s0;
	[sflag:s22] =	ssyncadd.s32 $0xFFFFC000  }
0xa6: {  	[tilespmem:s0+$0x90F0] =	vst v1  }
0xa7: {  	[tilespmem:s0+$0x9080] =	vst v1  }
0xa8: {  	s2 =	simm.s32 $0x0;
	[tilespmem:s0+$0x9090] =	vst v1  }
.LBB2_10:
0xa9: {  	s2 =	sadd.s32 $0x8, s2;
	[tilespmem:s0+$0x90A0] =	vst v1  }
0xaa: {  	s31 =	sadd.s32 $0x400, s31;
	s1 =	sshll.u32 s2, $0x4;
	p0 =	slt.u32 s2, $0x7F8;
	[tilespmem:s0+$0x90B0] =	vst v1  }
0xab: {  	s4 =	sand.u32 $0x1C00, s31;
	s5 =	sshll.u32 s2, $0x1;
	s1 =	sand.u32 $0x6000, s1;
	[tilespmem:s0+$0x90C0] =	vst v1  }
.Ltmp4:
0xac: {  	s5 =	sand.u32 $0x380, s5;
	s1 =	sor.u32 s4, s1;
	[tilespmem:s0+$0x90D0] =	vst v1;
	(pc) =	sbr.rel @p0 .LBB2_10-.Ltmp4, $4  }
0xad: {  	[tilespmem:s0+$0x90E0] =	vst v1;
	s0 =	sor.u32 s5, s1  }
0xae: {  	[tilespmem:s0+$0x90F0] =	vst v1  }
0xaf: {  	[tilespmem:s0+$0x9080] =	vst v1  }
0xb0: {  	[tilespmem:s0+$0x9090] =	vst v1  }
0xb1: {  	[tilespmem:s0+$0x90A0] =	vst v1  }
0xb2: {  	[tilespmem:s0+$0x90B0] =	vst v1  }
0xb3: {  	[tilespmem:s0+$0x90C0] =	vst v1  }
0xb4: {  	[tilespmem:s0+$0x90D0] =	vst v1  }
0xb5: {  	[tilespmem:s0+$0x90E0] =	vst v1;
	s0 =	simm.s32 $0x0;
	s31 =	simm.s32 $0x40  }
.LBB2_12:
0xb6: {  	p0 =	sne.s32 s31, $0xFFC0;
	v3 =	vld [tilespmem:s0+$0x5080];
	_ =	sdelay $0x2  }
0xb7: {  	v4 =	vld [tilespmem:s0+$0x1080];
	_ =	sdelay $0x1  }
0xb8: {  	v3 =	vsub.s32 v3, v0  }
0xb9: {  	vm0 =	vlt.u32 v3, $0x20  }
0xba: {  	v3 =	vnsel vm0, $0x0, v3  }
0xbb: {  	v5 =	vshll.u32 v3, $0xA;
	v6 =	vshll.u32 v4, $0x3  }
0xbc: {  	v3 =	vshll.u32 v3, $0x7;
	v5 =	vand.u32 $0xFFFFE000, v5;
	v6 =	vand.u32 $0xFFFFFC00, v6  }
0xbd: {  	v3 =	vand.u32 $0x380, v3;
	v5 =	vadd.s32 v6, v5  }
0xbe: {  	v4 =	vand.u32 $0x7F, v4;
	v3 =	vor.u32 v3, v5  }
0xbf: {  	v3 =	vor.u32 v4, v3  }
.Ltmp5:
0xc0: {  	(pc) =	sbr.rel @p0 .LBB2_12-.Ltmp5, $2  }
0xc1: {  	_ =	sdelay $0x2  }
0xc2: {  	s0 =	sshra.s32 s31, $0x2;
	s31 =	sadd.s32 $0x40, s31;
	[tilespmem:v3+s28+$0x0] =	vst.idx.add.f32.msk vm0, v2  }
0xc3: {  	v3 =	vld [tilespmem:s0+$0x5080];
	_ =	sdelay $0x2  }
0xc4: {  	v4 =	vld [tilespmem:s0+$0x1080];
	_ =	sdelay $0x1  }
0xc5: {  	v3 =	vsub.s32 v3, v0  }
0xc6: {  	vm0 =	vlt.u32 v3, $0x20  }
0xc7: {  	v3 =	vnsel vm0, $0x0, v3  }
0xc8: {  	v6 =	vshll.u32 v4, $0x3;
	v5 =	vshll.u32 v3, $0xA  }
0xc9: {  	v6 =	vand.u32 $0xFFFFFC00, v6;
	v3 =	vshll.u32 v3, $0x7;
	v5 =	vand.u32 $0xFFFFE000, v5  }
0xca: {  	v3 =	vand.u32 $0x380, v3;
	v5 =	vadd.s32 v6, v5  }
0xcb: {  	v4 =	vand.u32 $0x7F, v4;
	v3 =	vor.u32 v3, v5  }
0xcc: {  	v3 =	vor.u32 v4, v3;
	_ =	sdelay $0x4  }
0xcd: {  	[tilespmem:v3+s28+$0x0] =	vst.idx.add.f32.msk vm0, v2  }
0xce: {  	[hbm4b:s19+s3] =	stream.linear.scatter [tilespmem:s28], [sflag:$0x2], $0x8000, $0x38;
	[tilespmem:$0x11080] =	vst v63  }
0xcf: {  	_ =	swait.ge [sflag:s22], $0x8000  }
0xd0: {  	[sflag:s22] =	ssyncset.done $0x0  }
0xd1: {  	[sflag:s22] =	ssyncadd.s32 $0xFFFF8000  }
0xd2: {  	s30 =	sadd.s32 $0x1, s30;
	_ =	swait.ge [sflag:s29], $0x1000  }
0xd3: {  	p0 =	sne.s32 s30, s21;
	[sflag:s29] =	ssyncset.done $0x0  }
.Ltmp6:
0xd4: {  	[sflag:s29] =	ssyncadd.s32 $0xFFFFF000;
	(pc) =	sbr.rel @p0 .LBB2_1-.Ltmp6, $4  }
0xd5: {  	[hbm4b:s20+s3] =	stream.linear.scatter [tilespmem:s24], [sflag:$0x2], $0x1000, $0x38;
	[tilespmem:$0x11080] =	vst v63  }
0xd6: {  	_ =	swait.ge [sflag:s22], $0x1000  }
0xd7: {  	[sflag:s22] =	ssyncset.done $0x0  }
0xd8: {  	[sflag:s22] =	ssyncadd.s32 $0xFFFFF000  }
0xd9: {  	_ =	sfence.sel $0x180000  }
0xda: {  	[bflag:$0x0] =	sbarrier.arrive $0xFFFF  }
0xdb: {  	_ =	strace $0x90000047  }
0xdc: {  	s0 =	stileid.u32;
	[bflag:$0x2] =	sbarrier.arrive $0xFFFF  }
0xdd: {  	p0 =	sne.s32 s0, $0x0;
	s0 =	rddreg [dreg:$0x4]  }
0xde: {  	s0 =	sadd.s32 @!p0 $0x100000, s0  }
0xdf: {  	[sflag:s0] =	ssyncadd.tile.s32 @!p0 $0x1;
	_ =	shalt  }
.Lfunc_end2:
_tile_overlayer_lowered:
.L_overlay_start_2:
0xe0: {  	(tag) =	ssettag $0x2  }
0xe1: {  	s0 =	rddreg [dreg:$0x0];
	s2 =	stileid.u32  }
0xe2: {  	s1 =	rddreg [dreg:$0x1];
	p0 =	sne.s32 s2, $0x0  }
0xe3: {  	s3 =	rddreg [dreg:$0x2];
	[bflag:$0x3] =	sbarrier.arrive $0xFFFF;
	s2 =	simm.s32 @!p0 $0x1C02  }
0xe4: {  	[timem:s3], [sflag:s2] =	dma.local @!p0 [hbm:s0], s1  }
0xe5: {  	s0 =	simm.s32 @!p0 $0x2  }
0xe6: {  	_ =	swait.ge @!p0 [sflag:s0], s1  }
0xe7: {  	s1 =	ssub.s32 @!p0 $0x0, s1;
	[sflag:s0] =	ssyncset.done @!p0 $0x0  }
0xe8: {  	[sflag:s0] =	ssyncadd.s32 @!p0 s1  }
0xe9: {  	[bflag:$0x3] =	sbarrier.arrive $0xFFFF  }
0xea: {  	_ =	shalt  }

</sc_bundles>
